<compile_context>
chip_gen: v7x
topology: tpu7x:2x2x1
jax: 0.10.2.dev20260603
libtpu: 0.0.44.dev20260713+nightly
codegen_flags: <defaults>
</compile_context>

<pallas_src>
import functools

import jax
import jax.numpy as jnp
from jax import lax
from jax.experimental import pallas as pl
from jax.experimental.pallas import tpu as pltpu
from jax.experimental.pallas import tpu_sc as plsc

HIDDEN = 64
B, L = 4096, 200
N_TOKENS = B * L
N_CLASSES = 6
LANES = 128
OUT_ROWS = N_TOKENS * HIDDEN // LANES

_info = plsc.get_sparse_core_info()
NC, NS = _info.num_cores, _info.num_subcores
NW = NC * NS

CHUNK_ROWS = 4
CHUNK = CHUNK_ROWS * L
CROWS = CHUNK * HIDDEN // LANES
GROUPS = CHUNK // 16


def _table_body(emb_ref, w1_ref, b1_ref, w2_ref, b2_ref, out_ref):
    h = jnp.dot(emb_ref[...], w1_ref[...], preferred_element_type=jnp.float32)
    h = h + b1_ref[...]
    h = h * jax.nn.sigmoid(h)
    o = jnp.dot(h, w2_ref[...], preferred_element_type=jnp.float32)
    out_ref[...] = o + b2_ref[...]


def _mlp_table(emb, W1, b1, W2, b2):
    n = emb.shape[0]
    return pl.pallas_call(
        _table_body,
        out_shape=jax.ShapeDtypeStruct((n, HIDDEN), jnp.float32),
    )(emb, W1, b1.reshape(1, HIDDEN), W2, b2.reshape(1, HIDDEN))


def _make_gather():
    rows_per_w = B // NW
    b_per_w = rows_per_w * L
    orow_per_w = b_per_w * HIDDEN // LANES
    n_chunks = rows_per_w // CHUNK_ROWS
    n_outer = n_chunks // 2
    mesh = plsc.VectorSubcoreMesh(core_axis_name="c", subcore_axis_name="s")

    @functools.partial(
        pl.kernel,
        mesh=mesh,
        out_type=jax.ShapeDtypeStruct((OUT_ROWS, LANES), jnp.float32),
        scratch_types=[
            pltpu.VMEM((N_CLASSES * HIDDEN,), jnp.float32),
            pltpu.VMEM((CHUNK,), jnp.int32),
            pltpu.VMEM((CHUNK,), jnp.int32),
            pltpu.VMEM((CROWS, LANES), jnp.float32),
            pltpu.VMEM((CROWS, LANES), jnp.float32),
            pltpu.SemaphoreType.DMA,
            pltpu.SemaphoreType.DMA,
            pltpu.SemaphoreType.DMA,
            pltpu.SemaphoreType.DMA,
        ],
        compiler_params=pltpu.CompilerParams(
            use_tc_tiling_on_sc=False, needs_layout_passes=False),
    )
    def gather_kernel(table_hbm, idx_hbm, out_hbm,
                      tbl_v, idx_a, idx_b, out_a, out_b,
                      si_a, si_b, so_a, so_b):
        wid = lax.axis_index("s") * NC + lax.axis_index("c")
        row_base = wid * rows_per_w
        obase = wid * orow_per_w
        pltpu.sync_copy(table_hbm, tbl_v)

        def fire_idx(k, buf, sem):
            for r in range(CHUNK_ROWS):
                pltpu.async_copy(
                    idx_hbm.at[row_base + k * CHUNK_ROWS + r],
                    buf.at[pl.ds(r * L, L)], sem)

        def wait_idx(buf, sem):
            for r in range(CHUNK_ROWS):
                pltpu.make_async_copy(
                    idx_hbm.at[row_base],
                    buf.at[pl.ds(r * L, L)], sem).wait()

        def fire_out(k, buf, sem):
            pltpu.async_copy(
                buf, out_hbm.at[pl.ds(obase + k * CROWS, CROWS)], sem)

        def wait_out(buf, sem):
            pltpu.make_async_copy(
                buf, out_hbm.at[pl.ds(obase, CROWS)], sem).wait()

        def compute(idx_ref, out_ref):
            def grp(g, carry):
                off16 = idx_ref[pl.ds(g * 16, 16)] * HIDDEN
                row0 = g * 8
                for p in range(8):
                    se = off16[2 * p]
                    so = off16[2 * p + 1]
                    r = row0 + p
                    for c in range(HIDDEN // 16):
                        out_ref[r, pl.ds(c * 16, 16)] = (
                            tbl_v[pl.ds(se + c * 16, 16)])
                        out_ref[r, pl.ds(HIDDEN + c * 16, 16)] = (
                            tbl_v[pl.ds(so + c * 16, 16)])
                return carry
            lax.fori_loop(0, GROUPS, grp, 0)

        fire_idx(0, idx_a, si_a)
        fire_idx(1, idx_b, si_b)

        def outer(kk, carry):
            for b, (idxv, outv, si, so) in enumerate(
                    ((idx_a, out_a, si_a, so_a), (idx_b, out_b, si_b, so_b))):
                k = kk * 2 + b
                wait_idx(idxv, si)

                @pl.when(kk > 0)
                def _drain():
                    wait_out(outv, so)

                compute(idxv, outv)

                @pl.when(k + 2 < n_chunks)
                def _prefetch():
                    fire_idx(k + 2, idxv, si)

                fire_out(k, outv, so)
            return carry

        lax.fori_loop(0, n_outer, outer, 0)
        wait_out(out_a, so_a)
        wait_out(out_b, so_b)

    return gather_kernel


_gather = _make_gather()


def kernel(x, emb, W1, b1, W2, b2):
    table = _mlp_table(emb, W1, b1, W2, b2)
    out = _gather(table.reshape(-1), x.astype(jnp.int32))
    return out.reshape(B, L, HIDDEN)

# --- scband reference (transcript-rebuilt; emitter-appended) ---
"""Pipeline reference for scband-color-embedding-89421219102950 (READ-ONLY COPY).

The authoritative reference and input builder live on the scoring server;
editing this copy changes nothing except your own understanding.
"""

import jax, jax.numpy as jnp
import numpy as np

HIDDEN = 64
N_CLASSES = 6
B, L = 4096, 200

def setup_inputs(seed: int = 0) -> dict:
    key = jax.random.key(seed)
    k_x, k_emb, k_w1, k_b1, k_w2, k_b2 = jax.random.split(key, 6)
    x = jax.random.randint(k_x, (B, L), 0, N_CLASSES, dtype=jnp.int64 if jax.config.jax_enable_x64 else jnp.int32)
    emb = jax.random.normal(k_emb, (N_CLASSES, HIDDEN), dtype=jnp.float32)
    lim = 1.0 / np.sqrt(HIDDEN)
    W1 = jax.random.uniform(k_w1, (HIDDEN, HIDDEN), minval=-lim, maxval=lim, dtype=jnp.float32)
    b1 = jax.random.uniform(k_b1, (HIDDEN,), minval=-lim, maxval=lim, dtype=jnp.float32)
    W2 = jax.random.uniform(k_w2, (HIDDEN, HIDDEN), minval=-lim, maxval=lim, dtype=jnp.float32)
    b2 = jax.random.uniform(k_b2, (HIDDEN,), minval=-lim, maxval=lim, dtype=jnp.float32)
    return {"x": x, "emb": emb, "W1": W1, "b1": b1, "W2": W2, "b2": b2}

def reference(x, emb, W1, b1, W2, b2):
    # nn.Embedding lookup
    h = jnp.take(emb, x.astype(jnp.int32), axis=0)  # [B, L, HIDDEN]
    # Linear -> SiLU -> Linear (torch Linear weights pre-transposed to [in, out])
    h = jnp.einsum('bld,de->ble', h, W1) + b1
    h = h * jax.nn.sigmoid(h)  # SiLU
    out = jnp.einsum('bld,de->ble', h, W2) + b2
    return out

if __name__ == "__main__":
    import jax
    _d = setup_inputs()
    print(jax.jit(kernel)(*tuple(_d.values())))

</pallas_src>

<mosaic_0001>
#map = affine_map<(d0, d1) -> (0)>
#map1 = affine_map<(d0, d1) -> (0, 0)>
module attributes {stable_mosaic.version = 14 : i64} {
  func.func @gather_kernel(%arg0: i32, %arg1: i32, %arg2: memref<384xf32, #tpu.memory_space<hbm>>, %arg3: memref<4096x200xi32, #tpu.memory_space<hbm>>, %arg4: memref<409600x128xf32, #tpu.memory_space<hbm>>, %arg5: memref<384xf32, #tpu.memory_space<vmem>>, %arg6: memref<800xi32, #tpu.memory_space<vmem>>, %arg7: memref<800xi32, #tpu.memory_space<vmem>>, %arg8: memref<400x128xf32, #tpu.memory_space<vmem>>, %arg9: memref<400x128xf32, #tpu.memory_space<vmem>>, %arg10: memref<!tpu.dma_semaphore, #tpu.memory_space<semaphore_mem>>, %arg11: memref<!tpu.dma_semaphore, #tpu.memory_space<semaphore_mem>>, %arg12: memref<!tpu.dma_semaphore, #tpu.memory_space<semaphore_mem>>, %arg13: memref<!tpu.dma_semaphore, #tpu.memory_space<semaphore_mem>>) attributes {dimension_semantics = [#tpu.dimension_semantics<core_parallel>, #tpu.dimension_semantics<subcore_parallel>], iteration_bounds = array<i64: 2, 16>, scalar_prefetch = 0 : i64, scratch_operands = 9 : i64, tpu.core_type = #tpu.core_type<sc_vector_subcore>, window_params = [{transform_indices = #map}, {transform_indices = #map1}, {transform_indices = #map1}]} {
    %mul3A = arith.constant 2 : i32
    %mul3A_0 = arith.muli %arg1, %mul3A : i32
    %add3A = arith.addi %mul3A_0, %arg0 : i32
    %mul3A_1 = arith.constant 128 : i32
    %mul3A_2 = arith.muli %add3A, %mul3A_1 : i32
    %mul3A_3 = arith.constant 12800 : i32
    %mul3A_4 = arith.muli %add3A, %mul3A_3 : i32
    "tpu.region"() ({
      %run_scoped3A = tpu.sem_alloc : memref<!tpu.dma_semaphore, #tpu.memory_space<semaphore_mem>>
      tpu.enqueue_dma source(%arg2 : memref<384xf32, #tpu.memory_space<hbm>>) target(%arg5 : memref<384xf32, #tpu.memory_space<vmem>>) target_semaphore(%run_scoped3A : memref<!tpu.dma_semaphore, #tpu.memory_space<semaphore_mem>>)
      tpu.wait_dma2 semaphore(%run_scoped3A : memref<!tpu.dma_semaphore, #tpu.memory_space<semaphore_mem>>) src(%arg2 : memref<384xf32, #tpu.memory_space<hbm>>) dst(%arg5 : memref<384xf32, #tpu.memory_space<vmem>>)
      tpu.yield
    }) : () -> ()
    %add3A_5 = arith.constant 0 : i32
    %add3A_6 = arith.addi %mul3A_2, %add3A_5 : i32
    %add3A_7 = arith.constant 0 : i32
    %add3A_8 = arith.addi %add3A_6, %add3A_7 : i32
    %dma_start3A = arith.constant 0 : i32
    %dma_start3A_9 = tpu.memref_slice %arg6[%dma_start3A] : memref<800xi32, #tpu.memory_space<vmem>> -> memref<200xi32, #tpu.memory_space<vmem>>
    %dma_start3A_10 = arith.constant 0 : i32
    %dma_start3A_11 = tpu.memref_slice %arg3[%add3A_8, %dma_start3A_10] : memref<4096x200xi32, #tpu.memory_space<hbm>> -> memref<1x200xi32, #tpu.memory_space<hbm>>
    %dma_start3A_12 = tpu.memref_squeeze %dma_start3A_11 : memref<1x200xi32, #tpu.memory_space<hbm>> -> memref<200xi32, #tpu.memory_space<hbm>>
    %dma_start3A_13 = arith.constant 0 : i32
    %dma_start3A_14 = tpu.memref_slice %arg6[%dma_start3A_13] : memref<800xi32, #tpu.memory_space<vmem>> -> memref<200xi32, #tpu.memory_space<vmem>>
    %dma_start3A_15 = arith.constant 0 : i32
    %dma_start3A_16 = tpu.memref_slice %arg3[%add3A_8, %dma_start3A_15] : memref<4096x200xi32, #tpu.memory_space<hbm>> -> memref<1x200xi32, #tpu.memory_space<hbm>>
    %dma_start3A_17 = tpu.memref_squeeze %dma_start3A_16 : memref<1x200xi32, #tpu.memory_space<hbm>> -> memref<200xi32, #tpu.memory_space<hbm>>
    tpu.enqueue_dma source(%dma_start3A_17 : memref<200xi32, #tpu.memory_space<hbm>>) target(%dma_start3A_14 : memref<200xi32, #tpu.memory_space<vmem>>) target_semaphore(%arg10 : memref<!tpu.dma_semaphore, #tpu.memory_space<semaphore_mem>>)
    %add3A_18 = arith.constant 0 : i32
    %add3A_19 = arith.addi %mul3A_2, %add3A_18 : i32
    %add3A_20 = arith.constant 1 : i32
    %add3A_21 = arith.addi %add3A_19, %add3A_20 : i32
    %dma_start3A_22 = arith.constant 200 : i32
    %dma_start3A_23 = tpu.memref_slice %arg6[%dma_start3A_22] : memref<800xi32, #tpu.memory_space<vmem>> -> memref<200xi32, #tpu.memory_space<vmem>>
    %dma_start3A_24 = arith.constant 0 : i32
    %dma_start3A_25 = tpu.memref_slice %arg3[%add3A_21, %dma_start3A_24] : memref<4096x200xi32, #tpu.memory_space<hbm>> -> memref<1x200xi32, #tpu.memory_space<hbm>>
    %dma_start3A_26 = tpu.memref_squeeze %dma_start3A_25 : memref<1x200xi32, #tpu.memory_space<hbm>> -> memref<200xi32, #tpu.memory_space<hbm>>
    %dma_start3A_27 = arith.constant 200 : i32
    %dma_start3A_28 = tpu.memref_slice %arg6[%dma_start3A_27] : memref<800xi32, #tpu.memory_space<vmem>> -> memref<200xi32, #tpu.memory_space<vmem>>
    %dma_start3A_29 = arith.constant 0 : i32
    %dma_start3A_30 = tpu.memref_slice %arg3[%add3A_21, %dma_start3A_29] : memref<4096x200xi32, #tpu.memory_space<hbm>> -> memref<1x200xi32, #tpu.memory_space<hbm>>
    %dma_start3A_31 = tpu.memref_squeeze %dma_start3A_30 : memref<1x200xi32, #tpu.memory_space<hbm>> -> memref<200xi32, #tpu.memory_space<hbm>>
    tpu.enqueue_dma source(%dma_start3A_31 : memref<200xi32, #tpu.memory_space<hbm>>) target(%dma_start3A_28 : memref<200xi32, #tpu.memory_space<vmem>>) target_semaphore(%arg10 : memref<!tpu.dma_semaphore, #tpu.memory_space<semaphore_mem>>)
    %add3A_32 = arith.constant 0 : i32
    %add3A_33 = arith.addi %mul3A_2, %add3A_32 : i32
    %add3A_34 = arith.constant 2 : i32
    %add3A_35 = arith.addi %add3A_33, %add3A_34 : i32
    %dma_start3A_36 = arith.constant 400 : i32
    %dma_start3A_37 = tpu.memref_slice %arg6[%dma_start3A_36] : memref<800xi32, #tpu.memory_space<vmem>> -> memref<200xi32, #tpu.memory_space<vmem>>
    %dma_start3A_38 = arith.constant 0 : i32
    %dma_start3A_39 = tpu.memref_slice %arg3[%add3A_35, %dma_start3A_38] : memref<4096x200xi32, #tpu.memory_space<hbm>> -> memref<1x200xi32, #tpu.memory_space<hbm>>
    %dma_start3A_40 = tpu.memref_squeeze %dma_start3A_39 : memref<1x200xi32, #tpu.memory_space<hbm>> -> memref<200xi32, #tpu.memory_space<hbm>>
    %dma_start3A_41 = arith.constant 400 : i32
    %dma_start3A_42 = tpu.memref_slice %arg6[%dma_start3A_41] : memref<800xi32, #tpu.memory_space<vmem>> -> memref<200xi32, #tpu.memory_space<vmem>>
    %dma_start3A_43 = arith.constant 0 : i32
    %dma_start3A_44 = tpu.memref_slice %arg3[%add3A_35, %dma_start3A_43] : memref<4096x200xi32, #tpu.memory_space<hbm>> -> memref<1x200xi32, #tpu.memory_space<hbm>>
    %dma_start3A_45 = tpu.memref_squeeze %dma_start3A_44 : memref<1x200xi32, #tpu.memory_space<hbm>> -> memref<200xi32, #tpu.memory_space<hbm>>
    tpu.enqueue_dma source(%dma_start3A_45 : memref<200xi32, #tpu.memory_space<hbm>>) target(%dma_start3A_42 : memref<200xi32, #tpu.memory_space<vmem>>) target_semaphore(%arg10 : memref<!tpu.dma_semaphore, #tpu.memory_space<semaphore_mem>>)
    %add3A_46 = arith.constant 0 : i32
    %add3A_47 = arith.addi %mul3A_2, %add3A_46 : i32
    %add3A_48 = arith.constant 3 : i32
    %add3A_49 = arith.addi %add3A_47, %add3A_48 : i32
    %dma_start3A_50 = arith.constant 600 : i32
    %dma_start3A_51 = tpu.memref_slice %arg6[%dma_start3A_50] : memref<800xi32, #tpu.memory_space<vmem>> -> memref<200xi32, #tpu.memory_space<vmem>>
    %dma_start3A_52 = arith.constant 0 : i32
    %dma_start3A_53 = tpu.memref_slice %arg3[%add3A_49, %dma_start3A_52] : memref<4096x200xi32, #tpu.memory_space<hbm>> -> memref<1x200xi32, #tpu.memory_space<hbm>>
    %dma_start3A_54 = tpu.memref_squeeze %dma_start3A_53 : memref<1x200xi32, #tpu.memory_space<hbm>> -> memref<200xi32, #tpu.memory_space<hbm>>
    %dma_start3A_55 = arith.constant 600 : i32
    %dma_start3A_56 = tpu.memref_slice %arg6[%dma_start3A_55] : memref<800xi32, #tpu.memory_space<vmem>> -> memref<200xi32, #tpu.memory_space<vmem>>
    %dma_start3A_57 = arith.constant 0 : i32
    %dma_start3A_58 = tpu.memref_slice %arg3[%add3A_49, %dma_start3A_57] : memref<4096x200xi32, #tpu.memory_space<hbm>> -> memref<1x200xi32, #tpu.memory_space<hbm>>
    %dma_start3A_59 = tpu.memref_squeeze %dma_start3A_58 : memref<1x200xi32, #tpu.memory_space<hbm>> -> memref<200xi32, #tpu.memory_space<hbm>>
    tpu.enqueue_dma source(%dma_start3A_59 : memref<200xi32, #tpu.memory_space<hbm>>) target(%dma_start3A_56 : memref<200xi32, #tpu.memory_space<vmem>>) target_semaphore(%arg10 : memref<!tpu.dma_semaphore, #tpu.memory_space<semaphore_mem>>)
    %add3A_60 = arith.constant 4 : i32
    %add3A_61 = arith.addi %mul3A_2, %add3A_60 : i32
    %add3A_62 = arith.constant 0 : i32
    %add3A_63 = arith.addi %add3A_61, %add3A_62 : i32
    %dma_start3A_64 = arith.constant 0 : i32
    %dma_start3A_65 = tpu.memref_slice %arg7[%dma_start3A_64] : memref<800xi32, #tpu.memory_space<vmem>> -> memref<200xi32, #tpu.memory_space<vmem>>
    %dma_start3A_66 = arith.constant 0 : i32
    %dma_start3A_67 = tpu.memref_slice %arg3[%add3A_63, %dma_start3A_66] : memref<4096x200xi32, #tpu.memory_space<hbm>> -> memref<1x200xi32, #tpu.memory_space<hbm>>
    %dma_start3A_68 = tpu.memref_squeeze %dma_start3A_67 : memref<1x200xi32, #tpu.memory_space<hbm>> -> memref<200xi32, #tpu.memory_space<hbm>>
    %dma_start3A_69 = arith.constant 0 : i32
    %dma_start3A_70 = tpu.memref_slice %arg7[%dma_start3A_69] : memref<800xi32, #tpu.memory_space<vmem>> -> memref<200xi32, #tpu.memory_space<vmem>>
    %dma_start3A_71 = arith.constant 0 : i32
    %dma_start3A_72 = tpu.memref_slice %arg3[%add3A_63, %dma_start3A_71] : memref<4096x200xi32, #tpu.memory_space<hbm>> -> memref<1x200xi32, #tpu.memory_space<hbm>>
    %dma_start3A_73 = tpu.memref_squeeze %dma_start3A_72 : memref<1x200xi32, #tpu.memory_space<hbm>> -> memref<200xi32, #tpu.memory_space<hbm>>
    tpu.enqueue_dma source(%dma_start3A_73 : memref<200xi32, #tpu.memory_space<hbm>>) target(%dma_start3A_70 : memref<200xi32, #tpu.memory_space<vmem>>) target_semaphore(%arg11 : memref<!tpu.dma_semaphore, #tpu.memory_space<semaphore_mem>>)
    %add3A_74 = arith.constant 4 : i32
    %add3A_75 = arith.addi %mul3A_2, %add3A_74 : i32
    %add3A_76 = arith.constant 1 : i32
    %add3A_77 = arith.addi %add3A_75, %add3A_76 : i32
    %dma_start3A_78 = arith.constant 200 : i32
    %dma_start3A_79 = tpu.memref_slice %arg7[%dma_start3A_78] : memref<800xi32, #tpu.memory_space<vmem>> -> memref<200xi32, #tpu.memory_space<vmem>>
    %dma_start3A_80 = arith.constant 0 : i32
    %dma_start3A_81 = tpu.memref_slice %arg3[%add3A_77, %dma_start3A_80] : memref<4096x200xi32, #tpu.memory_space<hbm>> -> memref<1x200xi32, #tpu.memory_space<hbm>>
    %dma_start3A_82 = tpu.memref_squeeze %dma_start3A_81 : memref<1x200xi32, #tpu.memory_space<hbm>> -> memref<200xi32, #tpu.memory_space<hbm>>
    %dma_start3A_83 = arith.constant 200 : i32
    %dma_start3A_84 = tpu.memref_slice %arg7[%dma_start3A_83] : memref<800xi32, #tpu.memory_space<vmem>> -> memref<200xi32, #tpu.memory_space<vmem>>
    %dma_start3A_85 = arith.constant 0 : i32
    %dma_start3A_86 = tpu.memref_slice %arg3[%add3A_77, %dma_start3A_85] : memref<4096x200xi32, #tpu.memory_space<hbm>> -> memref<1x200xi32, #tpu.memory_space<hbm>>
    %dma_start3A_87 = tpu.memref_squeeze %dma_start3A_86 : memref<1x200xi32, #tpu.memory_space<hbm>> -> memref<200xi32, #tpu.memory_space<hbm>>
    tpu.enqueue_dma source(%dma_start3A_87 : memref<200xi32, #tpu.memory_space<hbm>>) target(%dma_start3A_84 : memref<200xi32, #tpu.memory_space<vmem>>) target_semaphore(%arg11 : memref<!tpu.dma_semaphore, #tpu.memory_space<semaphore_mem>>)
    %add3A_88 = arith.constant 4 : i32
    %add3A_89 = arith.addi %mul3A_2, %add3A_88 : i32
    %add3A_90 = arith.constant 2 : i32
    %add3A_91 = arith.addi %add3A_89, %add3A_90 : i32
    %dma_start3A_92 = arith.constant 400 : i32
    %dma_start3A_93 = tpu.memref_slice %arg7[%dma_start3A_92] : memref<800xi32, #tpu.memory_space<vmem>> -> memref<200xi32, #tpu.memory_space<vmem>>
    %dma_start3A_94 = arith.constant 0 : i32
    %dma_start3A_95 = tpu.memref_slice %arg3[%add3A_91, %dma_start3A_94] : memref<4096x200xi32, #tpu.memory_space<hbm>> -> memref<1x200xi32, #tpu.memory_space<hbm>>
    %dma_start3A_96 = tpu.memref_squeeze %dma_start3A_95 : memref<1x200xi32, #tpu.memory_space<hbm>> -> memref<200xi32, #tpu.memory_space<hbm>>
    %dma_start3A_97 = arith.constant 400 : i32
    %dma_start3A_98 = tpu.memref_slice %arg7[%dma_start3A_97] : memref<800xi32, #tpu.memory_space<vmem>> -> memref<200xi32, #tpu.memory_space<vmem>>
    %dma_start3A_99 = arith.constant 0 : i32
    %dma_start3A_100 = tpu.memref_slice %arg3[%add3A_91, %dma_start3A_99] : memref<4096x200xi32, #tpu.memory_space<hbm>> -> memref<1x200xi32, #tpu.memory_space<hbm>>
    %dma_start3A_101 = tpu.memref_squeeze %dma_start3A_100 : memref<1x200xi32, #tpu.memory_space<hbm>> -> memref<200xi32, #tpu.memory_space<hbm>>
    tpu.enqueue_dma source(%dma_start3A_101 : memref<200xi32, #tpu.memory_space<hbm>>) target(%dma_start3A_98 : memref<200xi32, #tpu.memory_space<vmem>>) target_semaphore(%arg11 : memref<!tpu.dma_semaphore, #tpu.memory_space<semaphore_mem>>)
    %add3A_102 = arith.constant 4 : i32
    %add3A_103 = arith.addi %mul3A_2, %add3A_102 : i32
    %add3A_104 = arith.constant 3 : i32
    %add3A_105 = arith.addi %add3A_103, %add3A_104 : i32
    %dma_start3A_106 = arith.constant 600 : i32
    %dma_start3A_107 = tpu.memref_slice %arg7[%dma_start3A_106] : memref<800xi32, #tpu.memory_space<vmem>> -> memref<200xi32, #tpu.memory_space<vmem>>
    %dma_start3A_108 = arith.constant 0 : i32
    %dma_start3A_109 = tpu.memref_slice %arg3[%add3A_105, %dma_start3A_108] : memref<4096x200xi32, #tpu.memory_space<hbm>> -> memref<1x200xi32, #tpu.memory_space<hbm>>
    %dma_start3A_110 = tpu.memref_squeeze %dma_start3A_109 : memref<1x200xi32, #tpu.memory_space<hbm>> -> memref<200xi32, #tpu.memory_space<hbm>>
    %dma_start3A_111 = arith.constant 600 : i32
    %dma_start3A_112 = tpu.memref_slice %arg7[%dma_start3A_111] : memref<800xi32, #tpu.memory_space<vmem>> -> memref<200xi32, #tpu.memory_space<vmem>>
    %dma_start3A_113 = arith.constant 0 : i32
    %dma_start3A_114 = tpu.memref_slice %arg3[%add3A_105, %dma_start3A_113] : memref<4096x200xi32, #tpu.memory_space<hbm>> -> memref<1x200xi32, #tpu.memory_space<hbm>>
    %dma_start3A_115 = tpu.memref_squeeze %dma_start3A_114 : memref<1x200xi32, #tpu.memory_space<hbm>> -> memref<200xi32, #tpu.memory_space<hbm>>
    tpu.enqueue_dma source(%dma_start3A_115 : memref<200xi32, #tpu.memory_space<hbm>>) target(%dma_start3A_112 : memref<200xi32, #tpu.memory_space<vmem>>) target_semaphore(%arg11 : memref<!tpu.dma_semaphore, #tpu.memory_space<semaphore_mem>>)
    %scan3A = arith.constant 0 : i32
    %scan3A_116 = arith.constant 0 : i32
    %scan3A_117 = arith.constant 16 : i32
    %scan3A_118 = arith.addi %scan3A_116, %scan3A_117 : i32
    %scan3A_119 = arith.constant 1 : i32
    scf.for %scan3A_128 = %scan3A_116 to %scan3A_118 step %scan3A_119  : i32 {
      %mul3A_129 = arith.constant 2 : i32
      %mul3A_130 = arith.muli %scan3A_128, %mul3A_129 : i32
      %add3A_131 = arith.constant 0 : i32
      %add3A_132 = arith.addi %mul3A_130, %add3A_131 : i32
      %dma_wait3A_133 = arith.constant 0 : i32
      %dma_wait3A_134 = tpu.memref_slice %arg6[%dma_wait3A_133] : memref<800xi32, #tpu.memory_space<vmem>> -> memref<200xi32, #tpu.memory_space<vmem>>
      %dma_wait3A_135 = arith.constant 0 : i32
      %dma_wait3A_136 = tpu.memref_slice %arg3[%mul3A_2, %dma_wait3A_135] : memref<4096x200xi32, #tpu.memory_space<hbm>> -> memref<1x200xi32, #tpu.memory_space<hbm>>
      %dma_wait3A_137 = tpu.memref_squeeze %dma_wait3A_136 : memref<1x200xi32, #tpu.memory_space<hbm>> -> memref<200xi32, #tpu.memory_space<hbm>>
      %dma_wait3A_138 = arith.constant 0 : i32
      %dma_wait3A_139 = tpu.memref_slice %arg6[%dma_wait3A_138] : memref<800xi32, #tpu.memory_space<vmem>> -> memref<200xi32, #tpu.memory_space<vmem>>
      %dma_wait3A_140 = arith.constant 0 : i32
      %dma_wait3A_141 = tpu.memref_slice %arg3[%mul3A_2, %dma_wait3A_140] : memref<4096x200xi32, #tpu.memory_space<hbm>> -> memref<1x200xi32, #tpu.memory_space<hbm>>
      %dma_wait3A_142 = tpu.memref_squeeze %dma_wait3A_141 : memref<1x200xi32, #tpu.memory_space<hbm>> -> memref<200xi32, #tpu.memory_space<hbm>>
      tpu.wait_dma2 semaphore(%arg10 : memref<!tpu.dma_semaphore, #tpu.memory_space<semaphore_mem>>) src(%dma_wait3A_142 : memref<200xi32, #tpu.memory_space<hbm>>) dst(%dma_wait3A_139 : memref<200xi32, #tpu.memory_space<vmem>>)
      %dma_wait3A_143 = arith.constant 200 : i32
      %dma_wait3A_144 = tpu.memref_slice %arg6[%dma_wait3A_143] : memref<800xi32, #tpu.memory_space<vmem>> -> memref<200xi32, #tpu.memory_space<vmem>>
      %dma_wait3A_145 = arith.constant 0 : i32
      %dma_wait3A_146 = tpu.memref_slice %arg3[%mul3A_2, %dma_wait3A_145] : memref<4096x200xi32, #tpu.memory_space<hbm>> -> memref<1x200xi32, #tpu.memory_space<hbm>>
      %dma_wait3A_147 = tpu.memref_squeeze %dma_wait3A_146 : memref<1x200xi32, #tpu.memory_space<hbm>> -> memref<200xi32, #tpu.memory_space<hbm>>
      %dma_wait3A_148 = arith.constant 200 : i32
      %dma_wait3A_149 = tpu.memref_slice %arg6[%dma_wait3A_148] : memref<800xi32, #tpu.memory_space<vmem>> -> memref<200xi32, #tpu.memory_space<vmem>>
      %dma_wait3A_150 = arith.constant 0 : i32
      %dma_wait3A_151 = tpu.memref_slice %arg3[%mul3A_2, %dma_wait3A_150] : memref<4096x200xi32, #tpu.memory_space<hbm>> -> memref<1x200xi32, #tpu.memory_space<hbm>>
      %dma_wait3A_152 = tpu.memref_squeeze %dma_wait3A_151 : memref<1x200xi32, #tpu.memory_space<hbm>> -> memref<200xi32, #tpu.memory_space<hbm>>
      tpu.wait_dma2 semaphore(%arg10 : memref<!tpu.dma_semaphore, #tpu.memory_space<semaphore_mem>>) src(%dma_wait3A_152 : memref<200xi32, #tpu.memory_space<hbm>>) dst(%dma_wait3A_149 : memref<200xi32, #tpu.memory_space<vmem>>)
      %dma_wait3A_153 = arith.constant 400 : i32
      %dma_wait3A_154 = tpu.memref_slice %arg6[%dma_wait3A_153] : memref<800xi32, #tpu.memory_space<vmem>> -> memref<200xi32, #tpu.memory_space<vmem>>
      %dma_wait3A_155 = arith.constant 0 : i32
      %dma_wait3A_156 = tpu.memref_slice %arg3[%mul3A_2, %dma_wait3A_155] : memref<4096x200xi32, #tpu.memory_space<hbm>> -> memref<1x200xi32, #tpu.memory_space<hbm>>
      %dma_wait3A_157 = tpu.memref_squeeze %dma_wait3A_156 : memref<1x200xi32, #tpu.memory_space<hbm>> -> memref<200xi32, #tpu.memory_space<hbm>>
      %dma_wait3A_158 = arith.constant 400 : i32
      %dma_wait3A_159 = tpu.memref_slice %arg6[%dma_wait3A_158] : memref<800xi32, #tpu.memory_space<vmem>> -> memref<200xi32, #tpu.memory_space<vmem>>
      %dma_wait3A_160 = arith.constant 0 : i32
      %dma_wait3A_161 = tpu.memref_slice %arg3[%mul3A_2, %dma_wait3A_160] : memref<4096x200xi32, #tpu.memory_space<hbm>> -> memref<1x200xi32, #tpu.memory_space<hbm>>
      %dma_wait3A_162 = tpu.memref_squeeze %dma_wait3A_161 : memref<1x200xi32, #tpu.memory_space<hbm>> -> memref<200xi32, #tpu.memory_space<hbm>>
      tpu.wait_dma2 semaphore(%arg10 : memref<!tpu.dma_semaphore, #tpu.memory_space<semaphore_mem>>) src(%dma_wait3A_162 : memref<200xi32, #tpu.memory_space<hbm>>) dst(%dma_wait3A_159 : memref<200xi32, #tpu.memory_space<vmem>>)
      %dma_wait3A_163 = arith.constant 600 : i32
      %dma_wait3A_164 = tpu.memref_slice %arg6[%dma_wait3A_163] : memref<800xi32, #tpu.memory_space<vmem>> -> memref<200xi32, #tpu.memory_space<vmem>>
      %dma_wait3A_165 = arith.constant 0 : i32
      %dma_wait3A_166 = tpu.memref_slice %arg3[%mul3A_2, %dma_wait3A_165] : memref<4096x200xi32, #tpu.memory_space<hbm>> -> memref<1x200xi32, #tpu.memory_space<hbm>>
      %dma_wait3A_167 = tpu.memref_squeeze %dma_wait3A_166 : memref<1x200xi32, #tpu.memory_space<hbm>> -> memref<200xi32, #tpu.memory_space<hbm>>
      %dma_wait3A_168 = arith.constant 600 : i32
      %dma_wait3A_169 = tpu.memref_slice %arg6[%dma_wait3A_168] : memref<800xi32, #tpu.memory_space<vmem>> -> memref<200xi32, #tpu.memory_space<vmem>>
      %dma_wait3A_170 = arith.constant 0 : i32
      %dma_wait3A_171 = tpu.memref_slice %arg3[%mul3A_2, %dma_wait3A_170] : memref<4096x200xi32, #tpu.memory_space<hbm>> -> memref<1x200xi32, #tpu.memory_space<hbm>>
      %dma_wait3A_172 = tpu.memref_squeeze %dma_wait3A_171 : memref<1x200xi32, #tpu.memory_space<hbm>> -> memref<200xi32, #tpu.memory_space<hbm>>
      tpu.wait_dma2 semaphore(%arg10 : memref<!tpu.dma_semaphore, #tpu.memory_space<semaphore_mem>>) src(%dma_wait3A_172 : memref<200xi32, #tpu.memory_space<hbm>>) dst(%dma_wait3A_169 : memref<200xi32, #tpu.memory_space<vmem>>)
      %gt3A = arith.constant 0 : i32
      %gt3A_173 = arith.cmpi sgt, %scan3A_128, %gt3A : i32
      %convert_element_type3A = arith.extui %gt3A_173 : i1 to i32
      %cond3A = arith.constant 0 : i32
      %cond3A_174 = arith.cmpi ne, %convert_element_type3A, %cond3A : i32
      scf.if %cond3A_174 {
        %dma_wait3A_263 = arith.constant 0 : i32
        %dma_wait3A_264 = tpu.memref_slice %arg4[%mul3A_4, %dma_wait3A_263] : memref<409600x128xf32, #tpu.memory_space<hbm>> -> memref<400x128xf32, #tpu.memory_space<hbm>>
        %dma_wait3A_265 = arith.constant 0 : i32
        %dma_wait3A_266 = tpu.memref_slice %arg4[%mul3A_4, %dma_wait3A_265] : memref<409600x128xf32, #tpu.memory_space<hbm>> -> memref<400x128xf32, #tpu.memory_space<hbm>>
        tpu.wait_dma2 semaphore(%arg12 : memref<!tpu.dma_semaphore, #tpu.memory_space<semaphore_mem>>) src(%arg8 : memref<400x128xf32, #tpu.memory_space<vmem>>) dst(%dma_wait3A_266 : memref<400x128xf32, #tpu.memory_space<hbm>>)
      } else {
      }
      %scan3A_175 = arith.constant 0 : i32
      %scan3A_176 = arith.constant 0 : i32
      %scan3A_177 = arith.constant 50 : i32
      %scan3A_178 = arith.addi %scan3A_176, %scan3A_177 : i32
      %scan3A_179 = arith.constant 1 : i32
      scf.for %scan3A_263 = %scan3A_176 to %scan3A_178 step %scan3A_179  : i32 {
        %mul3A_264 = arith.constant 16 : i32
        %mul3A_265 = arith.muli %scan3A_263, %mul3A_264 : i32
        %get3A = arith.index_cast %mul3A_265 : i32 to index
        %get3A_266 = tpu.vector_load %arg6[%get3A] {strides = array<i32>} : memref<800xi32, #tpu.memory_space<vmem>>, vector<16xi32>,
        %mul3A_267 = arith.constant 64 : i32
        %mul3A_268 = vector.broadcast %mul3A_267 : i32 to vector<16xi32>
        %mul3A_269 = arith.muli %get3A_266, %mul3A_268 : vector<16xi32>
        %mul3A_270 = arith.constant 8 : i32
        %mul3A_271 = arith.muli %scan3A_263, %mul3A_270 : i32
        %slice3A = vector.extract_strided_slice %mul3A_269 {offsets = [0], sizes = [1], strides = [1]} : vector<16xi32> to vector<1xi32>
        %squeeze3A = vector.extract %slice3A[0] : i32 from vector<1xi32>
        %slice3A_272 = vector.extract_strided_slice %mul3A_269 {offsets = [1], sizes = [1], strides = [1]} : vector<16xi32> to vector<1xi32>
        %squeeze3A_273 = vector.extract %slice3A_272[0] : i32 from vector<1xi32>
        %add3A_274 = arith.constant 0 : i32
        %add3A_275 = arith.addi %mul3A_271, %add3A_274 : i32
        %add3A_276 = arith.constant 0 : i32
        %add3A_277 = arith.addi %squeeze3A, %add3A_276 : i32
        %get3A_278 = arith.index_cast %add3A_277 : i32 to index
        %get3A_279 = tpu.vector_load %arg5[%get3A_278] {strides = array<i32>} : memref<384xf32, #tpu.memory_space<vmem>>, vector<16xf32>,
        %swap3A = arith.index_cast %add3A_275 : i32 to index
        %swap3A_280 = arith.constant 0 : index
        %swap3A_281 = tpu.vector_load %arg8[%swap3A, %swap3A_280] {strides = array<i32>} : memref<400x128xf32, #tpu.memory_space<vmem>>, vector<16xf32>,
        tpu.vector_store %arg8[%swap3A, %swap3A_280], %get3A_279 {strides = array<i32>} : memref<400x128xf32, #tpu.memory_space<vmem>>, vector<16xf32>,
        %add3A_282 = arith.constant 0 : i32
        %add3A_283 = arith.addi %squeeze3A_273, %add3A_282 : i32
        %get3A_284 = arith.index_cast %add3A_283 : i32 to index
        %get3A_285 = tpu.vector_load %arg5[%get3A_284] {strides = array<i32>} : memref<384xf32, #tpu.memory_space<vmem>>, vector<16xf32>,
        %swap3A_286 = arith.index_cast %add3A_275 : i32 to index
        %swap3A_287 = arith.constant 64 : index
        %swap3A_288 = tpu.vector_load %arg8[%swap3A_286, %swap3A_287] {strides = array<i32>} : memref<400x128xf32, #tpu.memory_space<vmem>>, vector<16xf32>,
        tpu.vector_store %arg8[%swap3A_286, %swap3A_287], %get3A_285 {strides = array<i32>} : memref<400x128xf32, #tpu.memory_space<vmem>>, vector<16xf32>,
        %add3A_289 = arith.constant 16 : i32
        %add3A_290 = arith.addi %squeeze3A, %add3A_289 : i32
        %get3A_291 = arith.index_cast %add3A_290 : i32 to index
        %get3A_292 = tpu.vector_load %arg5[%get3A_291] {strides = array<i32>} : memref<384xf32, #tpu.memory_space<vmem>>, vector<16xf32>,
        %swap3A_293 = arith.index_cast %add3A_275 : i32 to index
        %swap3A_294 = arith.constant 16 : index
        %swap3A_295 = tpu.vector_load %arg8[%swap3A_293, %swap3A_294] {strides = array<i32>} : memref<400x128xf32, #tpu.memory_space<vmem>>, vector<16xf32>,
        tpu.vector_store %arg8[%swap3A_293, %swap3A_294], %get3A_292 {strides = array<i32>} : memref<400x128xf32, #tpu.memory_space<vmem>>, vector<16xf32>,
        %add3A_296 = arith.constant 16 : i32
        %add3A_297 = arith.addi %squeeze3A_273, %add3A_296 : i32
        %get3A_298 = arith.index_cast %add3A_297 : i32 to index
        %get3A_299 = tpu.vector_load %arg5[%get3A_298] {strides = array<i32>} : memref<384xf32, #tpu.memory_space<vmem>>, vector<16xf32>,
        %swap3A_300 = arith.index_cast %add3A_275 : i32 to index
        %swap3A_301 = arith.constant 80 : index
        %swap3A_302 = tpu.vector_load %arg8[%swap3A_300, %swap3A_301] {strides = array<i32>} : memref<400x128xf32, #tpu.memory_space<vmem>>, vector<16xf32>,
        tpu.vector_store %arg8[%swap3A_300, %swap3A_301], %get3A_299 {strides = array<i32>} : memref<400x128xf32, #tpu.memory_space<vmem>>, vector<16xf32>,
        %add3A_303 = arith.constant 32 : i32
        %add3A_304 = arith.addi %squeeze3A, %add3A_303 : i32
        %get3A_305 = arith.index_cast %add3A_304 : i32 to index
        %get3A_306 = tpu.vector_load %arg5[%get3A_305] {strides = array<i32>} : memref<384xf32, #tpu.memory_space<vmem>>, vector<16xf32>,
        %swap3A_307 = arith.index_cast %add3A_275 : i32 to index
        %swap3A_308 = arith.constant 32 : index
        %swap3A_309 = tpu.vector_load %arg8[%swap3A_307, %swap3A_308] {strides = array<i32>} : memref<400x128xf32, #tpu.memory_space<vmem>>, vector<16xf32>,
        tpu.vector_store %arg8[%swap3A_307, %swap3A_308], %get3A_306 {strides = array<i32>} : memref<400x128xf32, #tpu.memory_space<vmem>>, vector<16xf32>,
        %add3A_310 = arith.constant 32 : i32
        %add3A_311 = arith.addi %squeeze3A_273, %add3A_310 : i32
        %get3A_312 = arith.index_cast %add3A_311 : i32 to index
        %get3A_313 = tpu.vector_load %arg5[%get3A_312] {strides = array<i32>} : memref<384xf32, #tpu.memory_space<vmem>>, vector<16xf32>,
        %swap3A_314 = arith.index_cast %add3A_275 : i32 to index
        %swap3A_315 = arith.constant 96 : index
        %swap3A_316 = tpu.vector_load %arg8[%swap3A_314, %swap3A_315] {strides = array<i32>} : memref<400x128xf32, #tpu.memory_space<vmem>>, vector<16xf32>,
        tpu.vector_store %arg8[%swap3A_314, %swap3A_315], %get3A_313 {strides = array<i32>} : memref<400x128xf32, #tpu.memory_space<vmem>>, vector<16xf32>,
        %add3A_317 = arith.constant 48 : i32
        %add3A_318 = arith.addi %squeeze3A, %add3A_317 : i32
        %get3A_319 = arith.index_cast %add3A_318 : i32 to index
        %get3A_320 = tpu.vector_load %arg5[%get3A_319] {strides = array<i32>} : memref<384xf32, #tpu.memory_space<vmem>>, vector<16xf32>,
        %swap3A_321 = arith.index_cast %add3A_275 : i32 to index
        %swap3A_322 = arith.constant 48 : index
        %swap3A_323 = tpu.vector_load %arg8[%swap3A_321, %swap3A_322] {strides = array<i32>} : memref<400x128xf32, #tpu.memory_space<vmem>>, vector<16xf32>,
        tpu.vector_store %arg8[%swap3A_321, %swap3A_322], %get3A_320 {strides = array<i32>} : memref<400x128xf32, #tpu.memory_space<vmem>>, vector<16xf32>,
        %add3A_324 = arith.constant 48 : i32
        %add3A_325 = arith.addi %squeeze3A_273, %add3A_324 : i32
        %get3A_326 = arith.index_cast %add3A_325 : i32 to index
        %get3A_327 = tpu.vector_load %arg5[%get3A_326] {strides = array<i32>} : memref<384xf32, #tpu.memory_space<vmem>>, vector<16xf32>,
        %swap3A_328 = arith.index_cast %add3A_275 : i32 to index
        %swap3A_329 = arith.constant 112 : index
        %swap3A_330 = tpu.vector_load %arg8[%swap3A_328, %swap3A_329] {strides = array<i32>} : memref<400x128xf32, #tpu.memory_space<vmem>>, vector<16xf32>,
        tpu.vector_store %arg8[%swap3A_328, %swap3A_329], %get3A_327 {strides = array<i32>} : memref<400x128xf32, #tpu.memory_space<vmem>>, vector<16xf32>,
        %slice3A_331 = vector.extract_strided_slice %mul3A_269 {offsets = [2], sizes = [1], strides = [1]} : vector<16xi32> to vector<1xi32>
        %squeeze3A_332 = vector.extract %slice3A_331[0] : i32 from vector<1xi32>
        %slice3A_333 = vector.extract_strided_slice %mul3A_269 {offsets = [3], sizes = [1], strides = [1]} : vector<16xi32> to vector<1xi32>
        %squeeze3A_334 = vector.extract %slice3A_333[0] : i32 from vector<1xi32>
        %add3A_335 = arith.constant 1 : i32
        %add3A_336 = arith.addi %mul3A_271, %add3A_335 : i32
        %add3A_337 = arith.constant 0 : i32
        %add3A_338 = arith.addi %squeeze3A_332, %add3A_337 : i32
        %get3A_339 = arith.index_cast %add3A_338 : i32 to index
        %get3A_340 = tpu.vector_load %arg5[%get3A_339] {strides = array<i32>} : memref<384xf32, #tpu.memory_space<vmem>>, vector<16xf32>,
        %swap3A_341 = arith.index_cast %add3A_336 : i32 to index
        %swap3A_342 = arith.constant 0 : index
        %swap3A_343 = tpu.vector_load %arg8[%swap3A_341, %swap3A_342] {strides = array<i32>} : memref<400x128xf32, #tpu.memory_space<vmem>>, vector<16xf32>,
        tpu.vector_store %arg8[%swap3A_341, %swap3A_342], %get3A_340 {strides = array<i32>} : memref<400x128xf32, #tpu.memory_space<vmem>>, vector<16xf32>,
        %add3A_344 = arith.constant 0 : i32
        %add3A_345 = arith.addi %squeeze3A_334, %add3A_344 : i32
        %get3A_346 = arith.index_cast %add3A_345 : i32 to index
        %get3A_347 = tpu.vector_load %arg5[%get3A_346] {strides = array<i32>} : memref<384xf32, #tpu.memory_space<vmem>>, vector<16xf32>,
        %swap3A_348 = arith.index_cast %add3A_336 : i32 to index
        %swap3A_349 = arith.constant 64 : index
        %swap3A_350 = tpu.vector_load %arg8[%swap3A_348, %swap3A_349] {strides = array<i32>} : memref<400x128xf32, #tpu.memory_space<vmem>>, vector<16xf32>,
        tpu.vector_store %arg8[%swap3A_348, %swap3A_349], %get3A_347 {strides = array<i32>} : memref<400x128xf32, #tpu.memory_space<vmem>>, vector<16xf32>,
        %add3A_351 = arith.constant 16 : i32
        %add3A_352 = arith.addi %squeeze3A_332, %add3A_351 : i32
        %get3A_353 = arith.index_cast %add3A_352 : i32 to index
        %get3A_354 = tpu.vector_load %arg5[%get3A_353] {strides = array<i32>} : memref<384xf32, #tpu.memory_space<vmem>>, vector<16xf32>,
        %swap3A_355 = arith.index_cast %add3A_336 : i32 to index
        %swap3A_356 = arith.constant 16 : index
        %swap3A_357 = tpu.vector_load %arg8[%swap3A_355, %swap3A_356] {strides = array<i32>} : memref<400x128xf32, #tpu.memory_space<vmem>>, vector<16xf32>,
        tpu.vector_store %arg8[%swap3A_355, %swap3A_356], %get3A_354 {strides = array<i32>} : memref<400x128xf32, #tpu.memory_space<vmem>>, vector<16xf32>,
        %add3A_358 = arith.constant 16 : i32
        %add3A_359 = arith.addi %squeeze3A_334, %add3A_358 : i32
        %get3A_360 = arith.index_cast %add3A_359 : i32 to index
        %get3A_361 = tpu.vector_load %arg5[%get3A_360] {strides = array<i32>} : memref<384xf32, #tpu.memory_space<vmem>>, vector<16xf32>,
        %swap3A_362 = arith.index_cast %add3A_336 : i32 to index
        %swap3A_363 = arith.constant 80 : index
        %swap3A_364 = tpu.vector_load %arg8[%swap3A_362, %swap3A_363] {strides = array<i32>} : memref<400x128xf32, #tpu.memory_space<vmem>>, vector<16xf32>,
        tpu.vector_store %arg8[%swap3A_362, %swap3A_363], %get3A_361 {strides = array<i32>} : memref<400x128xf32, #tpu.memory_space<vmem>>, vector<16xf32>,
        %add3A_365 = arith.constant 32 : i32
        %add3A_366 = arith.addi %squeeze3A_332, %add3A_365 : i32
        %get3A_367 = arith.index_cast %add3A_366 : i32 to index
        %get3A_368 = tpu.vector_load %arg5[%get3A_367] {strides = array<i32>} : memref<384xf32, #tpu.memory_space<vmem>>, vector<16xf32>,
        %swap3A_369 = arith.index_cast %add3A_336 : i32 to index
        %swap3A_370 = arith.constant 32 : index
        %swap3A_371 = tpu.vector_load %arg8[%swap3A_369, %swap3A_370] {strides = array<i32>} : memref<400x128xf32, #tpu.memory_space<vmem>>, vector<16xf32>,
        tpu.vector_store %arg8[%swap3A_369, %swap3A_370], %get3A_368 {strides = array<i32>} : memref<400x128xf32, #tpu.memory_space<vmem>>, vector<16xf32>,
        %add3A_372 = arith.constant 32 : i32
        %add3A_373 = arith.addi %squeeze3A_334, %add3A_372 : i32
        %get3A_374 = arith.index_cast %add3A_373 : i32 to index
        %get3A_375 = tpu.vector_load %arg5[%get3A_374] {strides = array<i32>} : memref<384xf32, #tpu.memory_space<vmem>>, vector<16xf32>,
        %swap3A_376 = arith.index_cast %add3A_336 : i32 to index
        %swap3A_377 = arith.constant 96 : index
        %swap3A_378 = tpu.vector_load %arg8[%swap3A_376, %swap3A_377] {strides = array<i32>} : memref<400x128xf32, #tpu.memory_space<vmem>>, vector<16xf32>,
        tpu.vector_store %arg8[%swap3A_376, %swap3A_377], %get3A_375 {strides = array<i32>} : memref<400x128xf32, #tpu.memory_space<vmem>>, vector<16xf32>,
        %add3A_379 = arith.constant 48 : i32
        %add3A_380 = arith.addi %squeeze3A_332, %add3A_379 : i32
        %get3A_381 = arith.index_cast %add3A_380 : i32 to index
        %get3A_382 = tpu.vector_load %arg5[%get3A_381] {strides = array<i32>} : memref<384xf32, #tpu.memory_space<vmem>>, vector<16xf32>,
        %swap3A_383 = arith.index_cast %add3A_336 : i32 to index
        %swap3A_384 = arith.constant 48 : index
        %swap3A_385 = tpu.vector_load %arg8[%swap3A_383, %swap3A_384] {strides = array<i32>} : memref<400x128xf32, #tpu.memory_space<vmem>>, vector<16xf32>,
        tpu.vector_store %arg8[%swap3A_383, %swap3A_384], %get3A_382 {strides = array<i32>} : memref<400x128xf32, #tpu.memory_space<vmem>>, vector<16xf32>,
        %add3A_386 = arith.constant 48 : i32
        %add3A_387 = arith.addi %squeeze3A_334, %add3A_386 : i32
        %get3A_388 = arith.index_cast %add3A_387 : i32 to index
        %get3A_389 = tpu.vector_load %arg5[%get3A_388] {strides = array<i32>} : memref<384xf32, #tpu.memory_space<vmem>>, vector<16xf32>,
        %swap3A_390 = arith.index_cast %add3A_336 : i32 to index
        %swap3A_391 = arith.constant 112 : index
        %swap3A_392 = tpu.vector_load %arg8[%swap3A_390, %swap3A_391] {strides = array<i32>} : memref<400x128xf32, #tpu.memory_space<vmem>>, vector<16xf32>,
        tpu.vector_store %arg8[%swap3A_390, %swap3A_391], %get3A_389 {strides = array<i32>} : memref<400x128xf32, #tpu.memory_space<vmem>>, vector<16xf32>,
        %slice3A_393 = vector.extract_strided_slice %mul3A_269 {offsets = [4], sizes = [1], strides = [1]} : vector<16xi32> to vector<1xi32>
        %squeeze3A_394 = vector.extract %slice3A_393[0] : i32 from vector<1xi32>
        %slice3A_395 = vector.extract_strided_slice %mul3A_269 {offsets = [5], sizes = [1], strides = [1]} : vector<16xi32> to vector<1xi32>
        %squeeze3A_396 = vector.extract %slice3A_395[0] : i32 from vector<1xi32>
        %add3A_397 = arith.constant 2 : i32
        %add3A_398 = arith.addi %mul3A_271, %add3A_397 : i32
        %add3A_399 = arith.constant 0 : i32
        %add3A_400 = arith.addi %squeeze3A_394, %add3A_399 : i32
        %get3A_401 = arith.index_cast %add3A_400 : i32 to index
        %get3A_402 = tpu.vector_load %arg5[%get3A_401] {strides = array<i32>} : memref<384xf32, #tpu.memory_space<vmem>>, vector<16xf32>,
        %swap3A_403 = arith.index_cast %add3A_398 : i32 to index
        %swap3A_404 = arith.constant 0 : index
        %swap3A_405 = tpu.vector_load %arg8[%swap3A_403, %swap3A_404] {strides = array<i32>} : memref<400x128xf32, #tpu.memory_space<vmem>>, vector<16xf32>,
        tpu.vector_store %arg8[%swap3A_403, %swap3A_404], %get3A_402 {strides = array<i32>} : memref<400x128xf32, #tpu.memory_space<vmem>>, vector<16xf32>,
        %add3A_406 = arith.constant 0 : i32
        %add3A_407 = arith.addi %squeeze3A_396, %add3A_406 : i32
        %get3A_408 = arith.index_cast %add3A_407 : i32 to index
        %get3A_409 = tpu.vector_load %arg5[%get3A_408] {strides = array<i32>} : memref<384xf32, #tpu.memory_space<vmem>>, vector<16xf32>,
        %swap3A_410 = arith.index_cast %add3A_398 : i32 to index
        %swap3A_411 = arith.constant 64 : index
        %swap3A_412 = tpu.vector_load %arg8[%swap3A_410, %swap3A_411] {strides = array<i32>} : memref<400x128xf32, #tpu.memory_space<vmem>>, vector<16xf32>,
        tpu.vector_store %arg8[%swap3A_410, %swap3A_411], %get3A_409 {strides = array<i32>} : memref<400x128xf32, #tpu.memory_space<vmem>>, vector<16xf32>,
        %add3A_413 = arith.constant 16 : i32
        %add3A_414 = arith.addi %squeeze3A_394, %add3A_413 : i32
        %get3A_415 = arith.index_cast %add3A_414 : i32 to index
        %get3A_416 = tpu.vector_load %arg5[%get3A_415] {strides = array<i32>} : memref<384xf32, #tpu.memory_space<vmem>>, vector<16xf32>,
        %swap3A_417 = arith.index_cast %add3A_398 : i32 to index
        %swap3A_418 = arith.constant 16 : index
        %swap3A_419 = tpu.vector_load %arg8[%swap3A_417, %swap3A_418] {strides = array<i32>} : memref<400x128xf32, #tpu.memory_space<vmem>>, vector<16xf32>,
        tpu.vector_store %arg8[%swap3A_417, %swap3A_418], %get3A_416 {strides = array<i32>} : memref<400x128xf32, #tpu.memory_space<vmem>>, vector<16xf32>,
        %add3A_420 = arith.constant 16 : i32
        %add3A_421 = arith.addi %squeeze3A_396, %add3A_420 : i32
        %get3A_422 = arith.index_cast %add3A_421 : i32 to index
        %get3A_423 = tpu.vector_load %arg5[%get3A_422] {strides = array<i32>} : memref<384xf32, #tpu.memory_space<vmem>>, vector<16xf32>,
        %swap3A_424 = arith.index_cast %add3A_398 : i32 to index
        %swap3A_425 = arith.constant 80 : index
        %swap3A_426 = tpu.vector_load %arg8[%swap3A_424, %swap3A_425] {strides = array<i32>} : memref<400x128xf32, #tpu.memory_space<vmem>>, vector<16xf32>,
        tpu.vector_store %arg8[%swap3A_424, %swap3A_425], %get3A_423 {strides = array<i32>} : memref<400x128xf32, #tpu.memory_space<vmem>>, vector<16xf32>,
        %add3A_427 = arith.constant 32 : i32
        %add3A_428 = arith.addi %squeeze3A_394, %add3A_427 : i32
        %get3A_429 = arith.index_cast %add3A_428 : i32 to index
        %get3A_430 = tpu.vector_load %arg5[%get3A_429] {strides = array<i32>} : memref<384xf32, #tpu.memory_space<vmem>>, vector<16xf32>,
        %swap3A_431 = arith.index_cast %add3A_398 : i32 to index
        %swap3A_432 = arith.constant 32 : index
        %swap3A_433 = tpu.vector_load %arg8[%swap3A_431, %swap3A_432] {strides = array<i32>} : memref<400x128xf32, #tpu.memory_space<vmem>>, vector<16xf32>,
        tpu.vector_store %arg8[%swap3A_431, %swap3A_432], %get3A_430 {strides = array<i32>} : memref<400x128xf32, #tpu.memory_space<vmem>>, vector<16xf32>,
        %add3A_434 = arith.constant 32 : i32
        %add3A_435 = arith.addi %squeeze3A_396, %add3A_434 : i32
        %get3A_436 = arith.index_cast %add3A_435 : i32 to index
        %get3A_437 = tpu.vector_load %arg5[%get3A_436] {strides = array<i32>} : memref<384xf32, #tpu.memory_space<vmem>>, vector<16xf32>,
        %swap3A_438 = arith.index_cast %add3A_398 : i32 to index
        %swap3A_439 = arith.constant 96 : index
        %swap3A_440 = tpu.vector_load %arg8[%swap3A_438, %swap3A_439] {strides = array<i32>} : memref<400x128xf32, #tpu.memory_space<vmem>>, vector<16xf32>,
        tpu.vector_store %arg8[%swap3A_438, %swap3A_439], %get3A_437 {strides = array<i32>} : memref<400x128xf32, #tpu.memory_space<vmem>>, vector<16xf32>,
        %add3A_441 = arith.constant 48 : i32
        %add3A_442 = arith.addi %squeeze3A_394, %add3A_441 : i32
        %get3A_443 = arith.index_cast %add3A_442 : i32 to index
        %get3A_444 = tpu.vector_load %arg5[%get3A_443] {strides = array<i32>} : memref<384xf32, #tpu.memory_space<vmem>>, vector<16xf32>,
        %swap3A_445 = arith.index_cast %add3A_398 : i32 to index
        %swap3A_446 = arith.constant 48 : index
        %swap3A_447 = tpu.vector_load %arg8[%swap3A_445, %swap3A_446] {strides = array<i32>} : memref<400x128xf32, #tpu.memory_space<vmem>>, vector<16xf32>,
        tpu.vector_store %arg8[%swap3A_445, %swap3A_446], %get3A_444 {strides = array<i32>} : memref<400x128xf32, #tpu.memory_space<vmem>>, vector<16xf32>,
        %add3A_448 = arith.constant 48 : i32
        %add3A_449 = arith.addi %squeeze3A_396, %add3A_448 : i32
        %get3A_450 = arith.index_cast %add3A_449 : i32 to index
        %get3A_451 = tpu.vector_load %arg5[%get3A_450] {strides = array<i32>} : memref<384xf32, #tpu.memory_space<vmem>>, vector<16xf32>,
        %swap3A_452 = arith.index_cast %add3A_398 : i32 to index
        %swap3A_453 = arith.constant 112 : index
        %swap3A_454 = tpu.vector_load %arg8[%swap3A_452, %swap3A_453] {strides = array<i32>} : memref<400x128xf32, #tpu.memory_space<vmem>>, vector<16xf32>,
        tpu.vector_store %arg8[%swap3A_452, %swap3A_453], %get3A_451 {strides = array<i32>} : memref<400x128xf32, #tpu.memory_space<vmem>>, vector<16xf32>,
        %slice3A_455 = vector.extract_strided_slice %mul3A_269 {offsets = [6], sizes = [1], strides = [1]} : vector<16xi32> to vector<1xi32>
        %squeeze3A_456 = vector.extract %slice3A_455[0] : i32 from vector<1xi32>
        %slice3A_457 = vector.extract_strided_slice %mul3A_269 {offsets = [7], sizes = [1], strides = [1]} : vector<16xi32> to vector<1xi32>
        %squeeze3A_458 = vector.extract %slice3A_457[0] : i32 from vector<1xi32>
        %add3A_459 = arith.constant 3 : i32
        %add3A_460 = arith.addi %mul3A_271, %add3A_459 : i32
        %add3A_461 = arith.constant 0 : i32
        %add3A_462 = arith.addi %squeeze3A_456, %add3A_461 : i32
        %get3A_463 = arith.index_cast %add3A_462 : i32 to index
        %get3A_464 = tpu.vector_load %arg5[%get3A_463] {strides = array<i32>} : memref<384xf32, #tpu.memory_space<vmem>>, vector<16xf32>,
        %swap3A_465 = arith.index_cast %add3A_460 : i32 to index
        %swap3A_466 = arith.constant 0 : index
        %swap3A_467 = tpu.vector_load %arg8[%swap3A_465, %swap3A_466] {strides = array<i32>} : memref<400x128xf32, #tpu.memory_space<vmem>>, vector<16xf32>,
        tpu.vector_store %arg8[%swap3A_465, %swap3A_466], %get3A_464 {strides = array<i32>} : memref<400x128xf32, #tpu.memory_space<vmem>>, vector<16xf32>,
        %add3A_468 = arith.constant 0 : i32
        %add3A_469 = arith.addi %squeeze3A_458, %add3A_468 : i32
        %get3A_470 = arith.index_cast %add3A_469 : i32 to index
        %get3A_471 = tpu.vector_load %arg5[%get3A_470] {strides = array<i32>} : memref<384xf32, #tpu.memory_space<vmem>>, vector<16xf32>,
        %swap3A_472 = arith.index_cast %add3A_460 : i32 to index
        %swap3A_473 = arith.constant 64 : index
        %swap3A_474 = tpu.vector_load %arg8[%swap3A_472, %swap3A_473] {strides = array<i32>} : memref<400x128xf32, #tpu.memory_space<vmem>>, vector<16xf32>,
        tpu.vector_store %arg8[%swap3A_472, %swap3A_473], %get3A_471 {strides = array<i32>} : memref<400x128xf32, #tpu.memory_space<vmem>>, vector<16xf32>,
        %add3A_475 = arith.constant 16 : i32
        %add3A_476 = arith.addi %squeeze3A_456, %add3A_475 : i32
        %get3A_477 = arith.index_cast %add3A_476 : i32 to index
        %get3A_478 = tpu.vector_load %arg5[%get3A_477] {strides = array<i32>} : memref<384xf32, #tpu.memory_space<vmem>>, vector<16xf32>,
        %swap3A_479 = arith.index_cast %add3A_460 : i32 to index
        %swap3A_480 = arith.constant 16 : index
        %swap3A_481 = tpu.vector_load %arg8[%swap3A_479, %swap3A_480] {strides = array<i32>} : memref<400x128xf32, #tpu.memory_space<vmem>>, vector<16xf32>,
        tpu.vector_store %arg8[%swap3A_479, %swap3A_480], %get3A_478 {strides = array<i32>} : memref<400x128xf32, #tpu.memory_space<vmem>>, vector<16xf32>,
        %add3A_482 = arith.constant 16 : i32
        %add3A_483 = arith.addi %squeeze3A_458, %add3A_482 : i32
        %get3A_484 = arith.index_cast %add3A_483 : i32 to index
        %get3A_485 = tpu.vector_load %arg5[%get3A_484] {strides = array<i32>} : memref<384xf32, #tpu.memory_space<vmem>>, vector<16xf32>,
        %swap3A_486 = arith.index_cast %add3A_460 : i32 to index
        %swap3A_487 = arith.constant 80 : index
        %swap3A_488 = tpu.vector_load %arg8[%swap3A_486, %swap3A_487] {strides = array<i32>} : memref<400x128xf32, #tpu.memory_space<vmem>>, vector<16xf32>,
        tpu.vector_store %arg8[%swap3A_486, %swap3A_487], %get3A_485 {strides = array<i32>} : memref<400x128xf32, #tpu.memory_space<vmem>>, vector<16xf32>,
        %add3A_489 = arith.constant 32 : i32
        %add3A_490 = arith.addi %squeeze3A_456, %add3A_489 : i32
        %get3A_491 = arith.index_cast %add3A_490 : i32 to index
        %get3A_492 = tpu.vector_load %arg5[%get3A_491] {strides = array<i32>} : memref<384xf32, #tpu.memory_space<vmem>>, vector<16xf32>,
        %swap3A_493 = arith.index_cast %add3A_460 : i32 to index
        %swap3A_494 = arith.constant 32 : index
        %swap3A_495 = tpu.vector_load %arg8[%swap3A_493, %swap3A_494] {strides = array<i32>} : memref<400x128xf32, #tpu.memory_space<vmem>>, vector<16xf32>,
        tpu.vector_store %arg8[%swap3A_493, %swap3A_494], %get3A_492 {strides = array<i32>} : memref<400x128xf32, #tpu.memory_space<vmem>>, vector<16xf32>,
        %add3A_496 = arith.constant 32 : i32
        %add3A_497 = arith.addi %squeeze3A_458, %add3A_496 : i32
        %get3A_498 = arith.index_cast %add3A_497 : i32 to index
        %get3A_499 = tpu.vector_load %arg5[%get3A_498] {strides = array<i32>} : memref<384xf32, #tpu.memory_space<vmem>>, vector<16xf32>,
        %swap3A_500 = arith.index_cast %add3A_460 : i32 to index
        %swap3A_501 = arith.constant 96 : index
        %swap3A_502 = tpu.vector_load %arg8[%swap3A_500, %swap3A_501] {strides = array<i32>} : memref<400x128xf32, #tpu.memory_space<vmem>>, vector<16xf32>,
        tpu.vector_store %arg8[%swap3A_500, %swap3A_501], %get3A_499 {strides = array<i32>} : memref<400x128xf32, #tpu.memory_space<vmem>>, vector<16xf32>,
        %add3A_503 = arith.constant 48 : i32
        %add3A_504 = arith.addi %squeeze3A_456, %add3A_503 : i32
        %get3A_505 = arith.index_cast %add3A_504 : i32 to index
        %get3A_506 = tpu.vector_load %arg5[%get3A_505] {strides = array<i32>} : memref<384xf32, #tpu.memory_space<vmem>>, vector<16xf32>,
        %swap3A_507 = arith.index_cast %add3A_460 : i32 to index
        %swap3A_508 = arith.constant 48 : index
        %swap3A_509 = tpu.vector_load %arg8[%swap3A_507, %swap3A_508] {strides = array<i32>} : memref<400x128xf32, #tpu.memory_space<vmem>>, vector<16xf32>,
        tpu.vector_store %arg8[%swap3A_507, %swap3A_508], %get3A_506 {strides = array<i32>} : memref<400x128xf32, #tpu.memory_space<vmem>>, vector<16xf32>,
        %add3A_510 = arith.constant 48 : i32
        %add3A_511 = arith.addi %squeeze3A_458, %add3A_510 : i32
        %get3A_512 = arith.index_cast %add3A_511 : i32 to index
        %get3A_513 = tpu.vector_load %arg5[%get3A_512] {strides = array<i32>} : memref<384xf32, #tpu.memory_space<vmem>>, vector<16xf32>,
        %swap3A_514 = arith.index_cast %add3A_460 : i32 to index
        %swap3A_515 = arith.constant 112 : index
        %swap3A_516 = tpu.vector_load %arg8[%swap3A_514, %swap3A_515] {strides = array<i32>} : memref<400x128xf32, #tpu.memory_space<vmem>>, vector<16xf32>,
        tpu.vector_store %arg8[%swap3A_514, %swap3A_515], %get3A_513 {strides = array<i32>} : memref<400x128xf32, #tpu.memory_space<vmem>>, vector<16xf32>,
        %slice3A_517 = vector.extract_strided_slice %mul3A_269 {offsets = [8], sizes = [1], strides = [1]} : vector<16xi32> to vector<1xi32>
        %squeeze3A_518 = vector.extract %slice3A_517[0] : i32 from vector<1xi32>
        %slice3A_519 = vector.extract_strided_slice %mul3A_269 {offsets = [9], sizes = [1], strides = [1]} : vector<16xi32> to vector<1xi32>
        %squeeze3A_520 = vector.extract %slice3A_519[0] : i32 from vector<1xi32>
        %add3A_521 = arith.constant 4 : i32
        %add3A_522 = arith.addi %mul3A_271, %add3A_521 : i32
        %add3A_523 = arith.constant 0 : i32
        %add3A_524 = arith.addi %squeeze3A_518, %add3A_523 : i32
        %get3A_525 = arith.index_cast %add3A_524 : i32 to index
        %get3A_526 = tpu.vector_load %arg5[%get3A_525] {strides = array<i32>} : memref<384xf32, #tpu.memory_space<vmem>>, vector<16xf32>,
        %swap3A_527 = arith.index_cast %add3A_522 : i32 to index
        %swap3A_528 = arith.constant 0 : index
        %swap3A_529 = tpu.vector_load %arg8[%swap3A_527, %swap3A_528] {strides = array<i32>} : memref<400x128xf32, #tpu.memory_space<vmem>>, vector<16xf32>,
        tpu.vector_store %arg8[%swap3A_527, %swap3A_528], %get3A_526 {strides = array<i32>} : memref<400x128xf32, #tpu.memory_space<vmem>>, vector<16xf32>,
        %add3A_530 = arith.constant 0 : i32
        %add3A_531 = arith.addi %squeeze3A_520, %add3A_530 : i32
        %get3A_532 = arith.index_cast %add3A_531 : i32 to index
        %get3A_533 = tpu.vector_load %arg5[%get3A_532] {strides = array<i32>} : memref<384xf32, #tpu.memory_space<vmem>>, vector<16xf32>,
        %swap3A_534 = arith.index_cast %add3A_522 : i32 to index
        %swap3A_535 = arith.constant 64 : index
        %swap3A_536 = tpu.vector_load %arg8[%swap3A_534, %swap3A_535] {strides = array<i32>} : memref<400x128xf32, #tpu.memory_space<vmem>>, vector<16xf32>,
        tpu.vector_store %arg8[%swap3A_534, %swap3A_535], %get3A_533 {strides = array<i32>} : memref<400x128xf32, #tpu.memory_space<vmem>>, vector<16xf32>,
        %add3A_537 = arith.constant 16 : i32
        %add3A_538 = arith.addi %squeeze3A_518, %add3A_537 : i32
        %get3A_539 = arith.index_cast %add3A_538 : i32 to index
        %get3A_540 = tpu.vector_load %arg5[%get3A_539] {strides = array<i32>} : memref<384xf32, #tpu.memory_space<vmem>>, vector<16xf32>,
        %swap3A_541 = arith.index_cast %add3A_522 : i32 to index
        %swap3A_542 = arith.constant 16 : index
        %swap3A_543 = tpu.vector_load %arg8[%swap3A_541, %swap3A_542] {strides = array<i32>} : memref<400x128xf32, #tpu.memory_space<vmem>>, vector<16xf32>,
        tpu.vector_store %arg8[%swap3A_541, %swap3A_542], %get3A_540 {strides = array<i32>} : memref<400x128xf32, #tpu.memory_space<vmem>>, vector<16xf32>,
        %add3A_544 = arith.constant 16 : i32
        %add3A_545 = arith.addi %squeeze3A_520, %add3A_544 : i32
        %get3A_546 = arith.index_cast %add3A_545 : i32 to index
        %get3A_547 = tpu.vector_load %arg5[%get3A_546] {strides = array<i32>} : memref<384xf32, #tpu.memory_space<vmem>>, vector<16xf32>,
        %swap3A_548 = arith.index_cast %add3A_522 : i32 to index
        %swap3A_549 = arith.constant 80 : index
        %swap3A_550 = tpu.vector_load %arg8[%swap3A_548, %swap3A_549] {strides = array<i32>} : memref<400x128xf32, #tpu.memory_space<vmem>>, vector<16xf32>,
        tpu.vector_store %arg8[%swap3A_548, %swap3A_549], %get3A_547 {strides = array<i32>} : memref<400x128xf32, #tpu.memory_space<vmem>>, vector<16xf32>,
        %add3A_551 = arith.constant 32 : i32
        %add3A_552 = arith.addi %squeeze3A_518, %add3A_551 : i32
        %get3A_553 = arith.index_cast %add3A_552 : i32 to index
        %get3A_554 = tpu.vector_load %arg5[%get3A_553] {strides = array<i32>} : memref<384xf32, #tpu.memory_space<vmem>>, vector<16xf32>,
        %swap3A_555 = arith.index_cast %add3A_522 : i32 to index
        %swap3A_556 = arith.constant 32 : index
        %swap3A_557 = tpu.vector_load %arg8[%swap3A_555, %swap3A_556] {strides = array<i32>} : memref<400x128xf32, #tpu.memory_space<vmem>>, vector<16xf32>,
        tpu.vector_store %arg8[%swap3A_555, %swap3A_556], %get3A_554 {strides = array<i32>} : memref<400x128xf32, #tpu.memory_space<vmem>>, vector<16xf32>,
        %add3A_558 = arith.constant 32 : i32
        %add3A_559 = arith.addi %squeeze3A_520, %add3A_558 : i32
        %get3A_560 = arith.index_cast %add3A_559 : i32 to index
        %get3A_561 = tpu.vector_load %arg5[%get3A_560] {strides = array<i32>} : memref<384xf32, #tpu.memory_space<vmem>>, vector<16xf32>,
        %swap3A_562 = arith.index_cast %add3A_522 : i32 to index
        %swap3A_563 = arith.constant 96 : index
        %swap3A_564 = tpu.vector_load %arg8[%swap3A_562, %swap3A_563] {strides = array<i32>} : memref<400x128xf32, #tpu.memory_space<vmem>>, vector<16xf32>,
        tpu.vector_store %arg8[%swap3A_562, %swap3A_563], %get3A_561 {strides = array<i32>} : memref<400x128xf32, #tpu.memory_space<vmem>>, vector<16xf32>,
        %add3A_565 = arith.constant 48 : i32
        %add3A_566 = arith.addi %squeeze3A_518, %add3A_565 : i32
        %get3A_567 = arith.index_cast %add3A_566 : i32 to index
        %get3A_568 = tpu.vector_load %arg5[%get3A_567] {strides = array<i32>} : memref<384xf32, #tpu.memory_space<vmem>>, vector<16xf32>,
        %swap3A_569 = arith.index_cast %add3A_522 : i32 to index
        %swap3A_570 = arith.constant 48 : index
        %swap3A_571 = tpu.vector_load %arg8[%swap3A_569, %swap3A_570] {strides = array<i32>} : memref<400x128xf32, #tpu.memory_space<vmem>>, vector<16xf32>,
        tpu.vector_store %arg8[%swap3A_569, %swap3A_570], %get3A_568 {strides = array<i32>} : memref<400x128xf32, #tpu.memory_space<vmem>>, vector<16xf32>,
        %add3A_572 = arith.constant 48 : i32
        %add3A_573 = arith.addi %squeeze3A_520, %add3A_572 : i32
        %get3A_574 = arith.index_cast %add3A_573 : i32 to index
        %get3A_575 = tpu.vector_load %arg5[%get3A_574] {strides = array<i32>} : memref<384xf32, #tpu.memory_space<vmem>>, vector<16xf32>,
        %swap3A_576 = arith.index_cast %add3A_522 : i32 to index
        %swap3A_577 = arith.constant 112 : index
        %swap3A_578 = tpu.vector_load %arg8[%swap3A_576, %swap3A_577] {strides = array<i32>} : memref<400x128xf32, #tpu.memory_space<vmem>>, vector<16xf32>,
        tpu.vector_store %arg8[%swap3A_576, %swap3A_577], %get3A_575 {strides = array<i32>} : memref<400x128xf32, #tpu.memory_space<vmem>>, vector<16xf32>,
        %slice3A_579 = vector.extract_strided_slice %mul3A_269 {offsets = [10], sizes = [1], strides = [1]} : vector<16xi32> to vector<1xi32>
        %squeeze3A_580 = vector.extract %slice3A_579[0] : i32 from vector<1xi32>
        %slice3A_581 = vector.extract_strided_slice %mul3A_269 {offsets = [11], sizes = [1], strides = [1]} : vector<16xi32> to vector<1xi32>
        %squeeze3A_582 = vector.extract %slice3A_581[0] : i32 from vector<1xi32>
        %add3A_583 = arith.constant 5 : i32
        %add3A_584 = arith.addi %mul3A_271, %add3A_583 : i32
        %add3A_585 = arith.constant 0 : i32
        %add3A_586 = arith.addi %squeeze3A_580, %add3A_585 : i32
        %get3A_587 = arith.index_cast %add3A_586 : i32 to index
        %get3A_588 = tpu.vector_load %arg5[%get3A_587] {strides = array<i32>} : memref<384xf32, #tpu.memory_space<vmem>>, vector<16xf32>,
        %swap3A_589 = arith.index_cast %add3A_584 : i32 to index
        %swap3A_590 = arith.constant 0 : index
        %swap3A_591 = tpu.vector_load %arg8[%swap3A_589, %swap3A_590] {strides = array<i32>} : memref<400x128xf32, #tpu.memory_space<vmem>>, vector<16xf32>,
        tpu.vector_store %arg8[%swap3A_589, %swap3A_590], %get3A_588 {strides = array<i32>} : memref<400x128xf32, #tpu.memory_space<vmem>>, vector<16xf32>,
        %add3A_592 = arith.constant 0 : i32
        %add3A_593 = arith.addi %squeeze3A_582, %add3A_592 : i32
        %get3A_594 = arith.index_cast %add3A_593 : i32 to index
        %get3A_595 = tpu.vector_load %arg5[%get3A_594] {strides = array<i32>} : memref<384xf32, #tpu.memory_space<vmem>>, vector<16xf32>,
        %swap3A_596 = arith.index_cast %add3A_584 : i32 to index
        %swap3A_597 = arith.constant 64 : index
        %swap3A_598 = tpu.vector_load %arg8[%swap3A_596, %swap3A_597] {strides = array<i32>} : memref<400x128xf32, #tpu.memory_space<vmem>>, vector<16xf32>,
        tpu.vector_store %arg8[%swap3A_596, %swap3A_597], %get3A_595 {strides = array<i32>} : memref<400x128xf32, #tpu.memory_space<vmem>>, vector<16xf32>,
        %add3A_599 = arith.constant 16 : i32
        %add3A_600 = arith.addi %squeeze3A_580, %add3A_599 : i32
        %get3A_601 = arith.index_cast %add3A_600 : i32 to index
        %get3A_602 = tpu.vector_load %arg5[%get3A_601] {strides = array<i32>} : memref<384xf32, #tpu.memory_space<vmem>>, vector<16xf32>,
        %swap3A_603 = arith.index_cast %add3A_584 : i32 to index
        %swap3A_604 = arith.constant 16 : index
        %swap3A_605 = tpu.vector_load %arg8[%swap3A_603, %swap3A_604] {strides = array<i32>} : memref<400x128xf32, #tpu.memory_space<vmem>>, vector<16xf32>,
        tpu.vector_store %arg8[%swap3A_603, %swap3A_604], %get3A_602 {strides = array<i32>} : memref<400x128xf32, #tpu.memory_space<vmem>>, vector<16xf32>,
        %add3A_606 = arith.constant 16 : i32
        %add3A_607 = arith.addi %squeeze3A_582, %add3A_606 : i32
        %get3A_608 = arith.index_cast %add3A_607 : i32 to index
        %get3A_609 = tpu.vector_load %arg5[%get3A_608] {strides = array<i32>} : memref<384xf32, #tpu.memory_space<vmem>>, vector<16xf32>,
        %swap3A_610 = arith.index_cast %add3A_584 : i32 to index
        %swap3A_611 = arith.constant 80 : index
        %swap3A_612 = tpu.vector_load %arg8[%swap3A_610, %swap3A_611] {strides = array<i32>} : memref<400x128xf32, #tpu.memory_space<vmem>>, vector<16xf32>,
        tpu.vector_store %arg8[%swap3A_610, %swap3A_611], %get3A_609 {strides = array<i32>} : memref<400x128xf32, #tpu.memory_space<vmem>>, vector<16xf32>,
        %add3A_613 = arith.constant 32 : i32
        %add3A_614 = arith.addi %squeeze3A_580, %add3A_613 : i32
        %get3A_615 = arith.index_cast %add3A_614 : i32 to index
        %get3A_616 = tpu.vector_load %arg5[%get3A_615] {strides = array<i32>} : memref<384xf32, #tpu.memory_space<vmem>>, vector<16xf32>,
        %swap3A_617 = arith.index_cast %add3A_584 : i32 to index
        %swap3A_618 = arith.constant 32 : index
        %swap3A_619 = tpu.vector_load %arg8[%swap3A_617, %swap3A_618] {strides = array<i32>} : memref<400x128xf32, #tpu.memory_space<vmem>>, vector<16xf32>,
        tpu.vector_store %arg8[%swap3A_617, %swap3A_618], %get3A_616 {strides = array<i32>} : memref<400x128xf32, #tpu.memory_space<vmem>>, vector<16xf32>,
        %add3A_620 = arith.constant 32 : i32
        %add3A_621 = arith.addi %squeeze3A_582, %add3A_620 : i32
        %get3A_622 = arith.index_cast %add3A_621 : i32 to index
        %get3A_623 = tpu.vector_load %arg5[%get3A_622] {strides = array<i32>} : memref<384xf32, #tpu.memory_space<vmem>>, vector<16xf32>,
        %swap3A_624 = arith.index_cast %add3A_584 : i32 to index
        %swap3A_625 = arith.constant 96 : index
        %swap3A_626 = tpu.vector_load %arg8[%swap3A_624, %swap3A_625] {strides = array<i32>} : memref<400x128xf32, #tpu.memory_space<vmem>>, vector<16xf32>,
        tpu.vector_store %arg8[%swap3A_624, %swap3A_625], %get3A_623 {strides = array<i32>} : memref<400x128xf32, #tpu.memory_space<vmem>>, vector<16xf32>,
        %add3A_627 = arith.constant 48 : i32
        %add3A_628 = arith.addi %squeeze3A_580, %add3A_627 : i32
        %get3A_629 = arith.index_cast %add3A_628 : i32 to index
        %get3A_630 = tpu.vector_load %arg5[%get3A_629] {strides = array<i32>} : memref<384xf32, #tpu.memory_space<vmem>>, vector<16xf32>,
        %swap3A_631 = arith.index_cast %add3A_584 : i32 to index
        %swap3A_632 = arith.constant 48 : index
        %swap3A_633 = tpu.vector_load %arg8[%swap3A_631, %swap3A_632] {strides = array<i32>} : memref<400x128xf32, #tpu.memory_space<vmem>>, vector<16xf32>,
        tpu.vector_store %arg8[%swap3A_631, %swap3A_632], %get3A_630 {strides = array<i32>} : memref<400x128xf32, #tpu.memory_space<vmem>>, vector<16xf32>,
        %add3A_634 = arith.constant 48 : i32
        %add3A_635 = arith.addi %squeeze3A_582, %add3A_634 : i32
        %get3A_636 = arith.index_cast %add3A_635 : i32 to index
        %get3A_637 = tpu.vector_load %arg5[%get3A_636] {strides = array<i32>} : memref<384xf32, #tpu.memory_space<vmem>>, vector<16xf32>,
        %swap3A_638 = arith.index_cast %add3A_584 : i32 to index
        %swap3A_639 = arith.constant 112 : index
        %swap3A_640 = tpu.vector_load %arg8[%swap3A_638, %swap3A_639] {strides = array<i32>} : memref<400x128xf32, #tpu.memory_space<vmem>>, vector<16xf32>,
        tpu.vector_store %arg8[%swap3A_638, %swap3A_639], %get3A_637 {strides = array<i32>} : memref<400x128xf32, #tpu.memory_space<vmem>>, vector<16xf32>,
        %slice3A_641 = vector.extract_strided_slice %mul3A_269 {offsets = [12], sizes = [1], strides = [1]} : vector<16xi32> to vector<1xi32>
        %squeeze3A_642 = vector.extract %slice3A_641[0] : i32 from vector<1xi32>
        %slice3A_643 = vector.extract_strided_slice %mul3A_269 {offsets = [13], sizes = [1], strides = [1]} : vector<16xi32> to vector<1xi32>
        %squeeze3A_644 = vector.extract %slice3A_643[0] : i32 from vector<1xi32>
        %add3A_645 = arith.constant 6 : i32
        %add3A_646 = arith.addi %mul3A_271, %add3A_645 : i32
        %add3A_647 = arith.constant 0 : i32
        %add3A_648 = arith.addi %squeeze3A_642, %add3A_647 : i32
        %get3A_649 = arith.index_cast %add3A_648 : i32 to index
        %get3A_650 = tpu.vector_load %arg5[%get3A_649] {strides = array<i32>} : memref<384xf32, #tpu.memory_space<vmem>>, vector<16xf32>,
        %swap3A_651 = arith.index_cast %add3A_646 : i32 to index
        %swap3A_652 = arith.constant 0 : index
        %swap3A_653 = tpu.vector_load %arg8[%swap3A_651, %swap3A_652] {strides = array<i32>} : memref<400x128xf32, #tpu.memory_space<vmem>>, vector<16xf32>,
        tpu.vector_store %arg8[%swap3A_651, %swap3A_652], %get3A_650 {strides = array<i32>} : memref<400x128xf32, #tpu.memory_space<vmem>>, vector<16xf32>,
        %add3A_654 = arith.constant 0 : i32
        %add3A_655 = arith.addi %squeeze3A_644, %add3A_654 : i32
        %get3A_656 = arith.index_cast %add3A_655 : i32 to index
        %get3A_657 = tpu.vector_load %arg5[%get3A_656] {strides = array<i32>} : memref<384xf32, #tpu.memory_space<vmem>>, vector<16xf32>,
        %swap3A_658 = arith.index_cast %add3A_646 : i32 to index
        %swap3A_659 = arith.constant 64 : index
        %swap3A_660 = tpu.vector_load %arg8[%swap3A_658, %swap3A_659] {strides = array<i32>} : memref<400x128xf32, #tpu.memory_space<vmem>>, vector<16xf32>,
        tpu.vector_store %arg8[%swap3A_658, %swap3A_659], %get3A_657 {strides = array<i32>} : memref<400x128xf32, #tpu.memory_space<vmem>>, vector<16xf32>,
        %add3A_661 = arith.constant 16 : i32
        %add3A_662 = arith.addi %squeeze3A_642, %add3A_661 : i32
        %get3A_663 = arith.index_cast %add3A_662 : i32 to index
        %get3A_664 = tpu.vector_load %arg5[%get3A_663] {strides = array<i32>} : memref<384xf32, #tpu.memory_space<vmem>>, vector<16xf32>,
        %swap3A_665 = arith.index_cast %add3A_646 : i32 to index
        %swap3A_666 = arith.constant 16 : index
        %swap3A_667 = tpu.vector_load %arg8[%swap3A_665, %swap3A_666] {strides = array<i32>} : memref<400x128xf32, #tpu.memory_space<vmem>>, vector<16xf32>,
        tpu.vector_store %arg8[%swap3A_665, %swap3A_666], %get3A_664 {strides = array<i32>} : memref<400x128xf32, #tpu.memory_space<vmem>>, vector<16xf32>,
        %add3A_668 = arith.constant 16 : i32
        %add3A_669 = arith.addi %squeeze3A_644, %add3A_668 : i32
        %get3A_670 = arith.index_cast %add3A_669 : i32 to index
        %get3A_671 = tpu.vector_load %arg5[%get3A_670] {strides = array<i32>} : memref<384xf32, #tpu.memory_space<vmem>>, vector<16xf32>,
        %swap3A_672 = arith.index_cast %add3A_646 : i32 to index
        %swap3A_673 = arith.constant 80 : index
        %swap3A_674 = tpu.vector_load %arg8[%swap3A_672, %swap3A_673] {strides = array<i32>} : memref<400x128xf32, #tpu.memory_space<vmem>>, vector<16xf32>,
        tpu.vector_store %arg8[%swap3A_672, %swap3A_673], %get3A_671 {strides = array<i32>} : memref<400x128xf32, #tpu.memory_space<vmem>>, vector<16xf32>,
        %add3A_675 = arith.constant 32 : i32
        %add3A_676 = arith.addi %squeeze3A_642, %add3A_675 : i32
        %get3A_677 = arith.index_cast %add3A_676 : i32 to index
        %get3A_678 = tpu.vector_load %arg5[%get3A_677] {strides = array<i32>} : memref<384xf32, #tpu.memory_space<vmem>>, vector<16xf32>,
        %swap3A_679 = arith.index_cast %add3A_646 : i32 to index
        %swap3A_680 = arith.constant 32 : index
        %swap3A_681 = tpu.vector_load %arg8[%swap3A_679, %swap3A_680] {strides = array<i32>} : memref<400x128xf32, #tpu.memory_space<vmem>>, vector<16xf32>,
        tpu.vector_store %arg8[%swap3A_679, %swap3A_680], %get3A_678 {strides = array<i32>} : memref<400x128xf32, #tpu.memory_space<vmem>>, vector<16xf32>,
        %add3A_682 = arith.constant 32 : i32
        %add3A_683 = arith.addi %squeeze3A_644, %add3A_682 : i32
        %get3A_684 = arith.index_cast %add3A_683 : i32 to index
        %get3A_685 = tpu.vector_load %arg5[%get3A_684] {strides = array<i32>} : memref<384xf32, #tpu.memory_space<vmem>>, vector<16xf32>,
        %swap3A_686 = arith.index_cast %add3A_646 : i32 to index
        %swap3A_687 = arith.constant 96 : index
        %swap3A_688 = tpu.vector_load %arg8[%swap3A_686, %swap3A_687] {strides = array<i32>} : memref<400x128xf32, #tpu.memory_space<vmem>>, vector<16xf32>,
        tpu.vector_store %arg8[%swap3A_686, %swap3A_687], %get3A_685 {strides = array<i32>} : memref<400x128xf32, #tpu.memory_space<vmem>>, vector<16xf32>,
        %add3A_689 = arith.constant 48 : i32
        %add3A_690 = arith.addi %squeeze3A_642, %add3A_689 : i32
        %get3A_691 = arith.index_cast %add3A_690 : i32 to index
        %get3A_692 = tpu.vector_load %arg5[%get3A_691] {strides = array<i32>} : memref<384xf32, #tpu.memory_space<vmem>>, vector<16xf32>,
        %swap3A_693 = arith.index_cast %add3A_646 : i32 to index
        %swap3A_694 = arith.constant 48 : index
        %swap3A_695 = tpu.vector_load %arg8[%swap3A_693, %swap3A_694] {strides = array<i32>} : memref<400x128xf32, #tpu.memory_space<vmem>>, vector<16xf32>,
        tpu.vector_store %arg8[%swap3A_693, %swap3A_694], %get3A_692 {strides = array<i32>} : memref<400x128xf32, #tpu.memory_space<vmem>>, vector<16xf32>,
        %add3A_696 = arith.constant 48 : i32
        %add3A_697 = arith.addi %squeeze3A_644, %add3A_696 : i32
        %get3A_698 = arith.index_cast %add3A_697 : i32 to index
        %get3A_699 = tpu.vector_load %arg5[%get3A_698] {strides = array<i32>} : memref<384xf32, #tpu.memory_space<vmem>>, vector<16xf32>,
        %swap3A_700 = arith.index_cast %add3A_646 : i32 to index
        %swap3A_701 = arith.constant 112 : index
        %swap3A_702 = tpu.vector_load %arg8[%swap3A_700, %swap3A_701] {strides = array<i32>} : memref<400x128xf32, #tpu.memory_space<vmem>>, vector<16xf32>,
        tpu.vector_store %arg8[%swap3A_700, %swap3A_701], %get3A_699 {strides = array<i32>} : memref<400x128xf32, #tpu.memory_space<vmem>>, vector<16xf32>,
        %slice3A_703 = vector.extract_strided_slice %mul3A_269 {offsets = [14], sizes = [1], strides = [1]} : vector<16xi32> to vector<1xi32>
        %squeeze3A_704 = vector.extract %slice3A_703[0] : i32 from vector<1xi32>
        %slice3A_705 = vector.extract_strided_slice %mul3A_269 {offsets = [15], sizes = [1], strides = [1]} : vector<16xi32> to vector<1xi32>
        %squeeze3A_706 = vector.extract %slice3A_705[0] : i32 from vector<1xi32>
        %add3A_707 = arith.constant 7 : i32
        %add3A_708 = arith.addi %mul3A_271, %add3A_707 : i32
        %add3A_709 = arith.constant 0 : i32
        %add3A_710 = arith.addi %squeeze3A_704, %add3A_709 : i32
        %get3A_711 = arith.index_cast %add3A_710 : i32 to index
        %get3A_712 = tpu.vector_load %arg5[%get3A_711] {strides = array<i32>} : memref<384xf32, #tpu.memory_space<vmem>>, vector<16xf32>,
        %swap3A_713 = arith.index_cast %add3A_708 : i32 to index
        %swap3A_714 = arith.constant 0 : index
        %swap3A_715 = tpu.vector_load %arg8[%swap3A_713, %swap3A_714] {strides = array<i32>} : memref<400x128xf32, #tpu.memory_space<vmem>>, vector<16xf32>,
        tpu.vector_store %arg8[%swap3A_713, %swap3A_714], %get3A_712 {strides = array<i32>} : memref<400x128xf32, #tpu.memory_space<vmem>>, vector<16xf32>,
        %add3A_716 = arith.constant 0 : i32
        %add3A_717 = arith.addi %squeeze3A_706, %add3A_716 : i32
        %get3A_718 = arith.index_cast %add3A_717 : i32 to index
        %get3A_719 = tpu.vector_load %arg5[%get3A_718] {strides = array<i32>} : memref<384xf32, #tpu.memory_space<vmem>>, vector<16xf32>,
        %swap3A_720 = arith.index_cast %add3A_708 : i32 to index
        %swap3A_721 = arith.constant 64 : index
        %swap3A_722 = tpu.vector_load %arg8[%swap3A_720, %swap3A_721] {strides = array<i32>} : memref<400x128xf32, #tpu.memory_space<vmem>>, vector<16xf32>,
        tpu.vector_store %arg8[%swap3A_720, %swap3A_721], %get3A_719 {strides = array<i32>} : memref<400x128xf32, #tpu.memory_space<vmem>>, vector<16xf32>,
        %add3A_723 = arith.constant 16 : i32
        %add3A_724 = arith.addi %squeeze3A_704, %add3A_723 : i32
        %get3A_725 = arith.index_cast %add3A_724 : i32 to index
        %get3A_726 = tpu.vector_load %arg5[%get3A_725] {strides = array<i32>} : memref<384xf32, #tpu.memory_space<vmem>>, vector<16xf32>,
        %swap3A_727 = arith.index_cast %add3A_708 : i32 to index
        %swap3A_728 = arith.constant 16 : index
        %swap3A_729 = tpu.vector_load %arg8[%swap3A_727, %swap3A_728] {strides = array<i32>} : memref<400x128xf32, #tpu.memory_space<vmem>>, vector<16xf32>,
        tpu.vector_store %arg8[%swap3A_727, %swap3A_728], %get3A_726 {strides = array<i32>} : memref<400x128xf32, #tpu.memory_space<vmem>>, vector<16xf32>,
        %add3A_730 = arith.constant 16 : i32
        %add3A_731 = arith.addi %squeeze3A_706, %add3A_730 : i32
        %get3A_732 = arith.index_cast %add3A_731 : i32 to index
        %get3A_733 = tpu.vector_load %arg5[%get3A_732] {strides = array<i32>} : memref<384xf32, #tpu.memory_space<vmem>>, vector<16xf32>,
        %swap3A_734 = arith.index_cast %add3A_708 : i32 to index
        %swap3A_735 = arith.constant 80 : index
        %swap3A_736 = tpu.vector_load %arg8[%swap3A_734, %swap3A_735] {strides = array<i32>} : memref<400x128xf32, #tpu.memory_space<vmem>>, vector<16xf32>,
        tpu.vector_store %arg8[%swap3A_734, %swap3A_735], %get3A_733 {strides = array<i32>} : memref<400x128xf32, #tpu.memory_space<vmem>>, vector<16xf32>,
        %add3A_737 = arith.constant 32 : i32
        %add3A_738 = arith.addi %squeeze3A_704, %add3A_737 : i32
        %get3A_739 = arith.index_cast %add3A_738 : i32 to index
        %get3A_740 = tpu.vector_load %arg5[%get3A_739] {strides = array<i32>} : memref<384xf32, #tpu.memory_space<vmem>>, vector<16xf32>,
        %swap3A_741 = arith.index_cast %add3A_708 : i32 to index
        %swap3A_742 = arith.constant 32 : index
        %swap3A_743 = tpu.vector_load %arg8[%swap3A_741, %swap3A_742] {strides = array<i32>} : memref<400x128xf32, #tpu.memory_space<vmem>>, vector<16xf32>,
        tpu.vector_store %arg8[%swap3A_741, %swap3A_742], %get3A_740 {strides = array<i32>} : memref<400x128xf32, #tpu.memory_space<vmem>>, vector<16xf32>,
        %add3A_744 = arith.constant 32 : i32
        %add3A_745 = arith.addi %squeeze3A_706, %add3A_744 : i32
        %get3A_746 = arith.index_cast %add3A_745 : i32 to index
        %get3A_747 = tpu.vector_load %arg5[%get3A_746] {strides = array<i32>} : memref<384xf32, #tpu.memory_space<vmem>>, vector<16xf32>,
        %swap3A_748 = arith.index_cast %add3A_708 : i32 to index
        %swap3A_749 = arith.constant 96 : index
        %swap3A_750 = tpu.vector_load %arg8[%swap3A_748, %swap3A_749] {strides = array<i32>} : memref<400x128xf32, #tpu.memory_space<vmem>>, vector<16xf32>,
        tpu.vector_store %arg8[%swap3A_748, %swap3A_749], %get3A_747 {strides = array<i32>} : memref<400x128xf32, #tpu.memory_space<vmem>>, vector<16xf32>,
        %add3A_751 = arith.constant 48 : i32
        %add3A_752 = arith.addi %squeeze3A_704, %add3A_751 : i32
        %get3A_753 = arith.index_cast %add3A_752 : i32 to index
        %get3A_754 = tpu.vector_load %arg5[%get3A_753] {strides = array<i32>} : memref<384xf32, #tpu.memory_space<vmem>>, vector<16xf32>,
        %swap3A_755 = arith.index_cast %add3A_708 : i32 to index
        %swap3A_756 = arith.constant 48 : index
        %swap3A_757 = tpu.vector_load %arg8[%swap3A_755, %swap3A_756] {strides = array<i32>} : memref<400x128xf32, #tpu.memory_space<vmem>>, vector<16xf32>,
        tpu.vector_store %arg8[%swap3A_755, %swap3A_756], %get3A_754 {strides = array<i32>} : memref<400x128xf32, #tpu.memory_space<vmem>>, vector<16xf32>,
        %add3A_758 = arith.constant 48 : i32
        %add3A_759 = arith.addi %squeeze3A_706, %add3A_758 : i32
        %get3A_760 = arith.index_cast %add3A_759 : i32 to index
        %get3A_761 = tpu.vector_load %arg5[%get3A_760] {strides = array<i32>} : memref<384xf32, #tpu.memory_space<vmem>>, vector<16xf32>,
        %swap3A_762 = arith.index_cast %add3A_708 : i32 to index
        %swap3A_763 = arith.constant 112 : index
        %swap3A_764 = tpu.vector_load %arg8[%swap3A_762, %swap3A_763] {strides = array<i32>} : memref<400x128xf32, #tpu.memory_space<vmem>>, vector<16xf32>,
        tpu.vector_store %arg8[%swap3A_762, %swap3A_763], %get3A_761 {strides = array<i32>} : memref<400x128xf32, #tpu.memory_space<vmem>>, vector<16xf32>,
      }
      %scan3A_180 = arith.constant 50 : i32
      %add3A_181 = arith.constant 2 : i32
      %add3A_182 = arith.addi %add3A_132, %add3A_181 : i32
      %lt3A = arith.constant 32 : i32
      %lt3A_183 = arith.cmpi slt, %add3A_182, %lt3A : i32
      %convert_element_type3A_184 = arith.extui %lt3A_183 : i1 to i32
      %cond3A_185 = arith.constant 0 : i32
      %cond3A_186 = arith.cmpi ne, %convert_element_type3A_184, %cond3A_185 : i32
      scf.if %cond3A_186 {
        %add3A_263 = arith.constant 2 : i32
        %add3A_264 = arith.addi %add3A_132, %add3A_263 : i32
        %mul3A_265 = arith.constant 4 : i32
        %mul3A_266 = arith.muli %add3A_264, %mul3A_265 : i32
        %add3A_267 = arith.addi %mul3A_2, %mul3A_266 : i32
        %add3A_268 = arith.constant 0 : i32
        %add3A_269 = arith.addi %add3A_267, %add3A_268 : i32
        %dma_start3A_270 = arith.constant 0 : i32
        %dma_start3A_271 = tpu.memref_slice %arg6[%dma_start3A_270] : memref<800xi32, #tpu.memory_space<vmem>> -> memref<200xi32, #tpu.memory_space<vmem>>
        %dma_start3A_272 = arith.constant 0 : i32
        %dma_start3A_273 = tpu.memref_slice %arg3[%add3A_269, %dma_start3A_272] : memref<4096x200xi32, #tpu.memory_space<hbm>> -> memref<1x200xi32, #tpu.memory_space<hbm>>
        %dma_start3A_274 = tpu.memref_squeeze %dma_start3A_273 : memref<1x200xi32, #tpu.memory_space<hbm>> -> memref<200xi32, #tpu.memory_space<hbm>>
        %dma_start3A_275 = arith.constant 0 : i32
        %dma_start3A_276 = tpu.memref_slice %arg6[%dma_start3A_275] : memref<800xi32, #tpu.memory_space<vmem>> -> memref<200xi32, #tpu.memory_space<vmem>>
        %dma_start3A_277 = arith.constant 0 : i32
        %dma_start3A_278 = tpu.memref_slice %arg3[%add3A_269, %dma_start3A_277] : memref<4096x200xi32, #tpu.memory_space<hbm>> -> memref<1x200xi32, #tpu.memory_space<hbm>>
        %dma_start3A_279 = tpu.memref_squeeze %dma_start3A_278 : memref<1x200xi32, #tpu.memory_space<hbm>> -> memref<200xi32, #tpu.memory_space<hbm>>
        tpu.enqueue_dma source(%dma_start3A_279 : memref<200xi32, #tpu.memory_space<hbm>>) target(%dma_start3A_276 : memref<200xi32, #tpu.memory_space<vmem>>) target_semaphore(%arg10 : memref<!tpu.dma_semaphore, #tpu.memory_space<semaphore_mem>>)
        %mul3A_280 = arith.constant 4 : i32
        %mul3A_281 = arith.muli %add3A_264, %mul3A_280 : i32
        %add3A_282 = arith.addi %mul3A_2, %mul3A_281 : i32
        %add3A_283 = arith.constant 1 : i32
        %add3A_284 = arith.addi %add3A_282, %add3A_283 : i32
        %dma_start3A_285 = arith.constant 200 : i32
        %dma_start3A_286 = tpu.memref_slice %arg6[%dma_start3A_285] : memref<800xi32, #tpu.memory_space<vmem>> -> memref<200xi32, #tpu.memory_space<vmem>>
        %dma_start3A_287 = arith.constant 0 : i32
        %dma_start3A_288 = tpu.memref_slice %arg3[%add3A_284, %dma_start3A_287] : memref<4096x200xi32, #tpu.memory_space<hbm>> -> memref<1x200xi32, #tpu.memory_space<hbm>>
        %dma_start3A_289 = tpu.memref_squeeze %dma_start3A_288 : memref<1x200xi32, #tpu.memory_space<hbm>> -> memref<200xi32, #tpu.memory_space<hbm>>
        %dma_start3A_290 = arith.constant 200 : i32
        %dma_start3A_291 = tpu.memref_slice %arg6[%dma_start3A_290] : memref<800xi32, #tpu.memory_space<vmem>> -> memref<200xi32, #tpu.memory_space<vmem>>
        %dma_start3A_292 = arith.constant 0 : i32
        %dma_start3A_293 = tpu.memref_slice %arg3[%add3A_284, %dma_start3A_292] : memref<4096x200xi32, #tpu.memory_space<hbm>> -> memref<1x200xi32, #tpu.memory_space<hbm>>
        %dma_start3A_294 = tpu.memref_squeeze %dma_start3A_293 : memref<1x200xi32, #tpu.memory_space<hbm>> -> memref<200xi32, #tpu.memory_space<hbm>>
        tpu.enqueue_dma source(%dma_start3A_294 : memref<200xi32, #tpu.memory_space<hbm>>) target(%dma_start3A_291 : memref<200xi32, #tpu.memory_space<vmem>>) target_semaphore(%arg10 : memref<!tpu.dma_semaphore, #tpu.memory_space<semaphore_mem>>)
        %mul3A_295 = arith.constant 4 : i32
        %mul3A_296 = arith.muli %add3A_264, %mul3A_295 : i32
        %add3A_297 = arith.addi %mul3A_2, %mul3A_296 : i32
        %add3A_298 = arith.constant 2 : i32
        %add3A_299 = arith.addi %add3A_297, %add3A_298 : i32
        %dma_start3A_300 = arith.constant 400 : i32
        %dma_start3A_301 = tpu.memref_slice %arg6[%dma_start3A_300] : memref<800xi32, #tpu.memory_space<vmem>> -> memref<200xi32, #tpu.memory_space<vmem>>
        %dma_start3A_302 = arith.constant 0 : i32
        %dma_start3A_303 = tpu.memref_slice %arg3[%add3A_299, %dma_start3A_302] : memref<4096x200xi32, #tpu.memory_space<hbm>> -> memref<1x200xi32, #tpu.memory_space<hbm>>
        %dma_start3A_304 = tpu.memref_squeeze %dma_start3A_303 : memref<1x200xi32, #tpu.memory_space<hbm>> -> memref<200xi32, #tpu.memory_space<hbm>>
        %dma_start3A_305 = arith.constant 400 : i32
        %dma_start3A_306 = tpu.memref_slice %arg6[%dma_start3A_305] : memref<800xi32, #tpu.memory_space<vmem>> -> memref<200xi32, #tpu.memory_space<vmem>>
        %dma_start3A_307 = arith.constant 0 : i32
        %dma_start3A_308 = tpu.memref_slice %arg3[%add3A_299, %dma_start3A_307] : memref<4096x200xi32, #tpu.memory_space<hbm>> -> memref<1x200xi32, #tpu.memory_space<hbm>>
        %dma_start3A_309 = tpu.memref_squeeze %dma_start3A_308 : memref<1x200xi32, #tpu.memory_space<hbm>> -> memref<200xi32, #tpu.memory_space<hbm>>
        tpu.enqueue_dma source(%dma_start3A_309 : memref<200xi32, #tpu.memory_space<hbm>>) target(%dma_start3A_306 : memref<200xi32, #tpu.memory_space<vmem>>) target_semaphore(%arg10 : memref<!tpu.dma_semaphore, #tpu.memory_space<semaphore_mem>>)
        %mul3A_310 = arith.constant 4 : i32
        %mul3A_311 = arith.muli %add3A_264, %mul3A_310 : i32
        %add3A_312 = arith.addi %mul3A_2, %mul3A_311 : i32
        %add3A_313 = arith.constant 3 : i32
        %add3A_314 = arith.addi %add3A_312, %add3A_313 : i32
        %dma_start3A_315 = arith.constant 600 : i32
        %dma_start3A_316 = tpu.memref_slice %arg6[%dma_start3A_315] : memref<800xi32, #tpu.memory_space<vmem>> -> memref<200xi32, #tpu.memory_space<vmem>>
        %dma_start3A_317 = arith.constant 0 : i32
        %dma_start3A_318 = tpu.memref_slice %arg3[%add3A_314, %dma_start3A_317] : memref<4096x200xi32, #tpu.memory_space<hbm>> -> memref<1x200xi32, #tpu.memory_space<hbm>>
        %dma_start3A_319 = tpu.memref_squeeze %dma_start3A_318 : memref<1x200xi32, #tpu.memory_space<hbm>> -> memref<200xi32, #tpu.memory_space<hbm>>
        %dma_start3A_320 = arith.constant 600 : i32
        %dma_start3A_321 = tpu.memref_slice %arg6[%dma_start3A_320] : memref<800xi32, #tpu.memory_space<vmem>> -> memref<200xi32, #tpu.memory_space<vmem>>
        %dma_start3A_322 = arith.constant 0 : i32
        %dma_start3A_323 = tpu.memref_slice %arg3[%add3A_314, %dma_start3A_322] : memref<4096x200xi32, #tpu.memory_space<hbm>> -> memref<1x200xi32, #tpu.memory_space<hbm>>
        %dma_start3A_324 = tpu.memref_squeeze %dma_start3A_323 : memref<1x200xi32, #tpu.memory_space<hbm>> -> memref<200xi32, #tpu.memory_space<hbm>>
        tpu.enqueue_dma source(%dma_start3A_324 : memref<200xi32, #tpu.memory_space<hbm>>) target(%dma_start3A_321 : memref<200xi32, #tpu.memory_space<vmem>>) target_semaphore(%arg10 : memref<!tpu.dma_semaphore, #tpu.memory_space<semaphore_mem>>)
      } else {
      }
      %mul3A_187 = arith.constant 400 : i32
      %mul3A_188 = arith.muli %add3A_132, %mul3A_187 : i32
      %add3A_189 = arith.addi %mul3A_4, %mul3A_188 : i32
      %dma_start3A_190 = arith.constant 0 : i32
      %dma_start3A_191 = tpu.memref_slice %arg4[%add3A_189, %dma_start3A_190] : memref<409600x128xf32, #tpu.memory_space<hbm>> -> memref<400x128xf32, #tpu.memory_space<hbm>>
      %dma_start3A_192 = arith.constant 0 : i32
      %dma_start3A_193 = tpu.memref_slice %arg4[%add3A_189, %dma_start3A_192] : memref<409600x128xf32, #tpu.memory_space<hbm>> -> memref<400x128xf32, #tpu.memory_space<hbm>>
      tpu.enqueue_dma source(%arg8 : memref<400x128xf32, #tpu.memory_space<vmem>>) target(%dma_start3A_193 : memref<400x128xf32, #tpu.memory_space<hbm>>) target_semaphore(%arg12 : memref<!tpu.dma_semaphore, #tpu.memory_space<semaphore_mem>>)
      %mul3A_194 = arith.constant 2 : i32
      %mul3A_195 = arith.muli %scan3A_128, %mul3A_194 : i32
      %add3A_196 = arith.constant 1 : i32
      %add3A_197 = arith.addi %mul3A_195, %add3A_196 : i32
      %dma_wait3A_198 = arith.constant 0 : i32
      %dma_wait3A_199 = tpu.memref_slice %arg7[%dma_wait3A_198] : memref<800xi32, #tpu.memory_space<vmem>> -> memref<200xi32, #tpu.memory_space<vmem>>
      %dma_wait3A_200 = arith.constant 0 : i32
      %dma_wait3A_201 = tpu.memref_slice %arg3[%mul3A_2, %dma_wait3A_200] : memref<4096x200xi32, #tpu.memory_space<hbm>> -> memref<1x200xi32, #tpu.memory_space<hbm>>
      %dma_wait3A_202 = tpu.memref_squeeze %dma_wait3A_201 : memref<1x200xi32, #tpu.memory_space<hbm>> -> memref<200xi32, #tpu.memory_space<hbm>>
      %dma_wait3A_203 = arith.constant 0 : i32
      %dma_wait3A_204 = tpu.memref_slice %arg7[%dma_wait3A_203] : memref<800xi32, #tpu.memory_space<vmem>> -> memref<200xi32, #tpu.memory_space<vmem>>
      %dma_wait3A_205 = arith.constant 0 : i32
      %dma_wait3A_206 = tpu.memref_slice %arg3[%mul3A_2, %dma_wait3A_205] : memref<4096x200xi32, #tpu.memory_space<hbm>> -> memref<1x200xi32, #tpu.memory_space<hbm>>
      %dma_wait3A_207 = tpu.memref_squeeze %dma_wait3A_206 : memref<1x200xi32, #tpu.memory_space<hbm>> -> memref<200xi32, #tpu.memory_space<hbm>>
      tpu.wait_dma2 semaphore(%arg11 : memref<!tpu.dma_semaphore, #tpu.memory_space<semaphore_mem>>) src(%dma_wait3A_207 : memref<200xi32, #tpu.memory_space<hbm>>) dst(%dma_wait3A_204 : memref<200xi32, #tpu.memory_space<vmem>>)
      %dma_wait3A_208 = arith.constant 200 : i32
      %dma_wait3A_209 = tpu.memref_slice %arg7[%dma_wait3A_208] : memref<800xi32, #tpu.memory_space<vmem>> -> memref<200xi32, #tpu.memory_space<vmem>>
      %dma_wait3A_210 = arith.constant 0 : i32
      %dma_wait3A_211 = tpu.memref_slice %arg3[%mul3A_2, %dma_wait3A_210] : memref<4096x200xi32, #tpu.memory_space<hbm>> -> memref<1x200xi32, #tpu.memory_space<hbm>>
      %dma_wait3A_212 = tpu.memref_squeeze %dma_wait3A_211 : memref<1x200xi32, #tpu.memory_space<hbm>> -> memref<200xi32, #tpu.memory_space<hbm>>
      %dma_wait3A_213 = arith.constant 200 : i32
      %dma_wait3A_214 = tpu.memref_slice %arg7[%dma_wait3A_213] : memref<800xi32, #tpu.memory_space<vmem>> -> memref<200xi32, #tpu.memory_space<vmem>>
      %dma_wait3A_215 = arith.constant 0 : i32
      %dma_wait3A_216 = tpu.memref_slice %arg3[%mul3A_2, %dma_wait3A_215] : memref<4096x200xi32, #tpu.memory_space<hbm>> -> memref<1x200xi32, #tpu.memory_space<hbm>>
      %dma_wait3A_217 = tpu.memref_squeeze %dma_wait3A_216 : memref<1x200xi32, #tpu.memory_space<hbm>> -> memref<200xi32, #tpu.memory_space<hbm>>
      tpu.wait_dma2 semaphore(%arg11 : memref<!tpu.dma_semaphore, #tpu.memory_space<semaphore_mem>>) src(%dma_wait3A_217 : memref<200xi32, #tpu.memory_space<hbm>>) dst(%dma_wait3A_214 : memref<200xi32, #tpu.memory_space<vmem>>)
      %dma_wait3A_218 = arith.constant 400 : i32
      %dma_wait3A_219 = tpu.memref_slice %arg7[%dma_wait3A_218] : memref<800xi32, #tpu.memory_space<vmem>> -> memref<200xi32, #tpu.memory_space<vmem>>
      %dma_wait3A_220 = arith.constant 0 : i32
      %dma_wait3A_221 = tpu.memref_slice %arg3[%mul3A_2, %dma_wait3A_220] : memref<4096x200xi32, #tpu.memory_space<hbm>> -> memref<1x200xi32, #tpu.memory_space<hbm>>
      %dma_wait3A_222 = tpu.memref_squeeze %dma_wait3A_221 : memref<1x200xi32, #tpu.memory_space<hbm>> -> memref<200xi32, #tpu.memory_space<hbm>>
      %dma_wait3A_223 = arith.constant 400 : i32
      %dma_wait3A_224 = tpu.memref_slice %arg7[%dma_wait3A_223] : memref<800xi32, #tpu.memory_space<vmem>> -> memref<200xi32, #tpu.memory_space<vmem>>
      %dma_wait3A_225 = arith.constant 0 : i32
      %dma_wait3A_226 = tpu.memref_slice %arg3[%mul3A_2, %dma_wait3A_225] : memref<4096x200xi32, #tpu.memory_space<hbm>> -> memref<1x200xi32, #tpu.memory_space<hbm>>
      %dma_wait3A_227 = tpu.memref_squeeze %dma_wait3A_226 : memref<1x200xi32, #tpu.memory_space<hbm>> -> memref<200xi32, #tpu.memory_space<hbm>>
      tpu.wait_dma2 semaphore(%arg11 : memref<!tpu.dma_semaphore, #tpu.memory_space<semaphore_mem>>) src(%dma_wait3A_227 : memref<200xi32, #tpu.memory_space<hbm>>) dst(%dma_wait3A_224 : memref<200xi32, #tpu.memory_space<vmem>>)
      %dma_wait3A_228 = arith.constant 600 : i32
      %dma_wait3A_229 = tpu.memref_slice %arg7[%dma_wait3A_228] : memref<800xi32, #tpu.memory_space<vmem>> -> memref<200xi32, #tpu.memory_space<vmem>>
      %dma_wait3A_230 = arith.constant 0 : i32
      %dma_wait3A_231 = tpu.memref_slice %arg3[%mul3A_2, %dma_wait3A_230] : memref<4096x200xi32, #tpu.memory_space<hbm>> -> memref<1x200xi32, #tpu.memory_space<hbm>>
      %dma_wait3A_232 = tpu.memref_squeeze %dma_wait3A_231 : memref<1x200xi32, #tpu.memory_space<hbm>> -> memref<200xi32, #tpu.memory_space<hbm>>
      %dma_wait3A_233 = arith.constant 600 : i32
      %dma_wait3A_234 = tpu.memref_slice %arg7[%dma_wait3A_233] : memref<800xi32, #tpu.memory_space<vmem>> -> memref<200xi32, #tpu.memory_space<vmem>>
      %dma_wait3A_235 = arith.constant 0 : i32
      %dma_wait3A_236 = tpu.memref_slice %arg3[%mul3A_2, %dma_wait3A_235] : memref<4096x200xi32, #tpu.memory_space<hbm>> -> memref<1x200xi32, #tpu.memory_space<hbm>>
      %dma_wait3A_237 = tpu.memref_squeeze %dma_wait3A_236 : memref<1x200xi32, #tpu.memory_space<hbm>> -> memref<200xi32, #tpu.memory_space<hbm>>
      tpu.wait_dma2 semaphore(%arg11 : memref<!tpu.dma_semaphore, #tpu.memory_space<semaphore_mem>>) src(%dma_wait3A_237 : memref<200xi32, #tpu.memory_space<hbm>>) dst(%dma_wait3A_234 : memref<200xi32, #tpu.memory_space<vmem>>)
      %gt3A_238 = arith.constant 0 : i32
      %gt3A_239 = arith.cmpi sgt, %scan3A_128, %gt3A_238 : i32
      %convert_element_type3A_240 = arith.extui %gt3A_239 : i1 to i32
      %cond3A_241 = arith.constant 0 : i32
      %cond3A_242 = arith.cmpi ne, %convert_element_type3A_240, %cond3A_241 : i32
      scf.if %cond3A_242 {
        %dma_wait3A_263 = arith.constant 0 : i32
        %dma_wait3A_264 = tpu.memref_slice %arg4[%mul3A_4, %dma_wait3A_263] : memref<409600x128xf32, #tpu.memory_space<hbm>> -> memref<400x128xf32, #tpu.memory_space<hbm>>
        %dma_wait3A_265 = arith.constant 0 : i32
        %dma_wait3A_266 = tpu.memref_slice %arg4[%mul3A_4, %dma_wait3A_265] : memref<409600x128xf32, #tpu.memory_space<hbm>> -> memref<400x128xf32, #tpu.memory_space<hbm>>
        tpu.wait_dma2 semaphore(%arg13 : memref<!tpu.dma_semaphore, #tpu.memory_space<semaphore_mem>>) src(%arg9 : memref<400x128xf32, #tpu.memory_space<vmem>>) dst(%dma_wait3A_266 : memref<400x128xf32, #tpu.memory_space<hbm>>)
      } else {
      }
      %scan3A_243 = arith.constant 0 : i32
      %scan3A_244 = arith.constant 0 : i32
      %scan3A_245 = arith.constant 50 : i32
      %scan3A_246 = arith.addi %scan3A_244, %scan3A_245 : i32
      %scan3A_247 = arith.constant 1 : i32
      scf.for %scan3A_263 = %scan3A_244 to %scan3A_246 step %scan3A_247  : i32 {
        %mul3A_264 = arith.constant 16 : i32
        %mul3A_265 = arith.muli %scan3A_263, %mul3A_264 : i32
        %get3A = arith.index_cast %mul3A_265 : i32 to index
        %get3A_266 = tpu.vector_load %arg7[%get3A] {strides = array<i32>} : memref<800xi32, #tpu.memory_space<vmem>>, vector<16xi32>,
        %mul3A_267 = arith.constant 64 : i32
        %mul3A_268 = vector.broadcast %mul3A_267 : i32 to vector<16xi32>
        %mul3A_269 = arith.muli %get3A_266, %mul3A_268 : vector<16xi32>
        %mul3A_270 = arith.constant 8 : i32
        %mul3A_271 = arith.muli %scan3A_263, %mul3A_270 : i32
        %slice3A = vector.extract_strided_slice %mul3A_269 {offsets = [0], sizes = [1], strides = [1]} : vector<16xi32> to vector<1xi32>
        %squeeze3A = vector.extract %slice3A[0] : i32 from vector<1xi32>
        %slice3A_272 = vector.extract_strided_slice %mul3A_269 {offsets = [1], sizes = [1], strides = [1]} : vector<16xi32> to vector<1xi32>
        %squeeze3A_273 = vector.extract %slice3A_272[0] : i32 from vector<1xi32>
        %add3A_274 = arith.constant 0 : i32
        %add3A_275 = arith.addi %mul3A_271, %add3A_274 : i32
        %add3A_276 = arith.constant 0 : i32
        %add3A_277 = arith.addi %squeeze3A, %add3A_276 : i32
        %get3A_278 = arith.index_cast %add3A_277 : i32 to index
        %get3A_279 = tpu.vector_load %arg5[%get3A_278] {strides = array<i32>} : memref<384xf32, #tpu.memory_space<vmem>>, vector<16xf32>,
        %swap3A = arith.index_cast %add3A_275 : i32 to index
        %swap3A_280 = arith.constant 0 : index
        %swap3A_281 = tpu.vector_load %arg9[%swap3A, %swap3A_280] {strides = array<i32>} : memref<400x128xf32, #tpu.memory_space<vmem>>, vector<16xf32>,
        tpu.vector_store %arg9[%swap3A, %swap3A_280], %get3A_279 {strides = array<i32>} : memref<400x128xf32, #tpu.memory_space<vmem>>, vector<16xf32>,
        %add3A_282 = arith.constant 0 : i32
        %add3A_283 = arith.addi %squeeze3A_273, %add3A_282 : i32
        %get3A_284 = arith.index_cast %add3A_283 : i32 to index
        %get3A_285 = tpu.vector_load %arg5[%get3A_284] {strides = array<i32>} : memref<384xf32, #tpu.memory_space<vmem>>, vector<16xf32>,
        %swap3A_286 = arith.index_cast %add3A_275 : i32 to index
        %swap3A_287 = arith.constant 64 : index
        %swap3A_288 = tpu.vector_load %arg9[%swap3A_286, %swap3A_287] {strides = array<i32>} : memref<400x128xf32, #tpu.memory_space<vmem>>, vector<16xf32>,
        tpu.vector_store %arg9[%swap3A_286, %swap3A_287], %get3A_285 {strides = array<i32>} : memref<400x128xf32, #tpu.memory_space<vmem>>, vector<16xf32>,
        %add3A_289 = arith.constant 16 : i32
        %add3A_290 = arith.addi %squeeze3A, %add3A_289 : i32
        %get3A_291 = arith.index_cast %add3A_290 : i32 to index
        %get3A_292 = tpu.vector_load %arg5[%get3A_291] {strides = array<i32>} : memref<384xf32, #tpu.memory_space<vmem>>, vector<16xf32>,
        %swap3A_293 = arith.index_cast %add3A_275 : i32 to index
        %swap3A_294 = arith.constant 16 : index
        %swap3A_295 = tpu.vector_load %arg9[%swap3A_293, %swap3A_294] {strides = array<i32>} : memref<400x128xf32, #tpu.memory_space<vmem>>, vector<16xf32>,
        tpu.vector_store %arg9[%swap3A_293, %swap3A_294], %get3A_292 {strides = array<i32>} : memref<400x128xf32, #tpu.memory_space<vmem>>, vector<16xf32>,
        %add3A_296 = arith.constant 16 : i32
        %add3A_297 = arith.addi %squeeze3A_273, %add3A_296 : i32
        %get3A_298 = arith.index_cast %add3A_297 : i32 to index
        %get3A_299 = tpu.vector_load %arg5[%get3A_298] {strides = array<i32>} : memref<384xf32, #tpu.memory_space<vmem>>, vector<16xf32>,
        %swap3A_300 = arith.index_cast %add3A_275 : i32 to index
        %swap3A_301 = arith.constant 80 : index
        %swap3A_302 = tpu.vector_load %arg9[%swap3A_300, %swap3A_301] {strides = array<i32>} : memref<400x128xf32, #tpu.memory_space<vmem>>, vector<16xf32>,
        tpu.vector_store %arg9[%swap3A_300, %swap3A_301], %get3A_299 {strides = array<i32>} : memref<400x128xf32, #tpu.memory_space<vmem>>, vector<16xf32>,
        %add3A_303 = arith.constant 32 : i32
        %add3A_304 = arith.addi %squeeze3A, %add3A_303 : i32
        %get3A_305 = arith.index_cast %add3A_304 : i32 to index
        %get3A_306 = tpu.vector_load %arg5[%get3A_305] {strides = array<i32>} : memref<384xf32, #tpu.memory_space<vmem>>, vector<16xf32>,
        %swap3A_307 = arith.index_cast %add3A_275 : i32 to index
        %swap3A_308 = arith.constant 32 : index
        %swap3A_309 = tpu.vector_load %arg9[%swap3A_307, %swap3A_308] {strides = array<i32>} : memref<400x128xf32, #tpu.memory_space<vmem>>, vector<16xf32>,
        tpu.vector_store %arg9[%swap3A_307, %swap3A_308], %get3A_306 {strides = array<i32>} : memref<400x128xf32, #tpu.memory_space<vmem>>, vector<16xf32>,
        %add3A_310 = arith.constant 32 : i32
        %add3A_311 = arith.addi %squeeze3A_273, %add3A_310 : i32
        %get3A_312 = arith.index_cast %add3A_311 : i32 to index
        %get3A_313 = tpu.vector_load %arg5[%get3A_312] {strides = array<i32>} : memref<384xf32, #tpu.memory_space<vmem>>, vector<16xf32>,
        %swap3A_314 = arith.index_cast %add3A_275 : i32 to index
        %swap3A_315 = arith.constant 96 : index
        %swap3A_316 = tpu.vector_load %arg9[%swap3A_314, %swap3A_315] {strides = array<i32>} : memref<400x128xf32, #tpu.memory_space<vmem>>, vector<16xf32>,
        tpu.vector_store %arg9[%swap3A_314, %swap3A_315], %get3A_313 {strides = array<i32>} : memref<400x128xf32, #tpu.memory_space<vmem>>, vector<16xf32>,
        %add3A_317 = arith.constant 48 : i32
        %add3A_318 = arith.addi %squeeze3A, %add3A_317 : i32
        %get3A_319 = arith.index_cast %add3A_318 : i32 to index
        %get3A_320 = tpu.vector_load %arg5[%get3A_319] {strides = array<i32>} : memref<384xf32, #tpu.memory_space<vmem>>, vector<16xf32>,
        %swap3A_321 = arith.index_cast %add3A_275 : i32 to index
        %swap3A_322 = arith.constant 48 : index
        %swap3A_323 = tpu.vector_load %arg9[%swap3A_321, %swap3A_322] {strides = array<i32>} : memref<400x128xf32, #tpu.memory_space<vmem>>, vector<16xf32>,
        tpu.vector_store %arg9[%swap3A_321, %swap3A_322], %get3A_320 {strides = array<i32>} : memref<400x128xf32, #tpu.memory_space<vmem>>, vector<16xf32>,
        %add3A_324 = arith.constant 48 : i32
        %add3A_325 = arith.addi %squeeze3A_273, %add3A_324 : i32
        %get3A_326 = arith.index_cast %add3A_325 : i32 to index
        %get3A_327 = tpu.vector_load %arg5[%get3A_326] {strides = array<i32>} : memref<384xf32, #tpu.memory_space<vmem>>, vector<16xf32>,
        %swap3A_328 = arith.index_cast %add3A_275 : i32 to index
        %swap3A_329 = arith.constant 112 : index
        %swap3A_330 = tpu.vector_load %arg9[%swap3A_328, %swap3A_329] {strides = array<i32>} : memref<400x128xf32, #tpu.memory_space<vmem>>, vector<16xf32>,
        tpu.vector_store %arg9[%swap3A_328, %swap3A_329], %get3A_327 {strides = array<i32>} : memref<400x128xf32, #tpu.memory_space<vmem>>, vector<16xf32>,
        %slice3A_331 = vector.extract_strided_slice %mul3A_269 {offsets = [2], sizes = [1], strides = [1]} : vector<16xi32> to vector<1xi32>
        %squeeze3A_332 = vector.extract %slice3A_331[0] : i32 from vector<1xi32>
        %slice3A_333 = vector.extract_strided_slice %mul3A_269 {offsets = [3], sizes = [1], strides = [1]} : vector<16xi32> to vector<1xi32>
        %squeeze3A_334 = vector.extract %slice3A_333[0] : i32 from vector<1xi32>
        %add3A_335 = arith.constant 1 : i32
        %add3A_336 = arith.addi %mul3A_271, %add3A_335 : i32
        %add3A_337 = arith.constant 0 : i32
        %add3A_338 = arith.addi %squeeze3A_332, %add3A_337 : i32
        %get3A_339 = arith.index_cast %add3A_338 : i32 to index
        %get3A_340 = tpu.vector_load %arg5[%get3A_339] {strides = array<i32>} : memref<384xf32, #tpu.memory_space<vmem>>, vector<16xf32>,
        %swap3A_341 = arith.index_cast %add3A_336 : i32 to index
        %swap3A_342 = arith.constant 0 : index
        %swap3A_343 = tpu.vector_load %arg9[%swap3A_341, %swap3A_342] {strides = array<i32>} : memref<400x128xf32, #tpu.memory_space<vmem>>, vector<16xf32>,
        tpu.vector_store %arg9[%swap3A_341, %swap3A_342], %get3A_340 {strides = array<i32>} : memref<400x128xf32, #tpu.memory_space<vmem>>, vector<16xf32>,
        %add3A_344 = arith.constant 0 : i32
        %add3A_345 = arith.addi %squeeze3A_334, %add3A_344 : i32
        %get3A_346 = arith.index_cast %add3A_345 : i32 to index
        %get3A_347 = tpu.vector_load %arg5[%get3A_346] {strides = array<i32>} : memref<384xf32, #tpu.memory_space<vmem>>, vector<16xf32>,
        %swap3A_348 = arith.index_cast %add3A_336 : i32 to index
        %swap3A_349 = arith.constant 64 : index
        %swap3A_350 = tpu.vector_load %arg9[%swap3A_348, %swap3A_349] {strides = array<i32>} : memref<400x128xf32, #tpu.memory_space<vmem>>, vector<16xf32>,
        tpu.vector_store %arg9[%swap3A_348, %swap3A_349], %get3A_347 {strides = array<i32>} : memref<400x128xf32, #tpu.memory_space<vmem>>, vector<16xf32>,
        %add3A_351 = arith.constant 16 : i32
        %add3A_352 = arith.addi %squeeze3A_332, %add3A_351 : i32
        %get3A_353 = arith.index_cast %add3A_352 : i32 to index
        %get3A_354 = tpu.vector_load %arg5[%get3A_353] {strides = array<i32>} : memref<384xf32, #tpu.memory_space<vmem>>, vector<16xf32>,
        %swap3A_355 = arith.index_cast %add3A_336 : i32 to index
        %swap3A_356 = arith.constant 16 : index
        %swap3A_357 = tpu.vector_load %arg9[%swap3A_355, %swap3A_356] {strides = array<i32>} : memref<400x128xf32, #tpu.memory_space<vmem>>, vector<16xf32>,
        tpu.vector_store %arg9[%swap3A_355, %swap3A_356], %get3A_354 {strides = array<i32>} : memref<400x128xf32, #tpu.memory_space<vmem>>, vector<16xf32>,
        %add3A_358 = arith.constant 16 : i32
        %add3A_359 = arith.addi %squeeze3A_334, %add3A_358 : i32
        %get3A_360 = arith.index_cast %add3A_359 : i32 to index
        %get3A_361 = tpu.vector_load %arg5[%get3A_360] {strides = array<i32>} : memref<384xf32, #tpu.memory_space<vmem>>, vector<16xf32>,
        %swap3A_362 = arith.index_cast %add3A_336 : i32 to index
        %swap3A_363 = arith.constant 80 : index
        %swap3A_364 = tpu.vector_load %arg9[%swap3A_362, %swap3A_363] {strides = array<i32>} : memref<400x128xf32, #tpu.memory_space<vmem>>, vector<16xf32>,
        tpu.vector_store %arg9[%swap3A_362, %swap3A_363], %get3A_361 {strides = array<i32>} : memref<400x128xf32, #tpu.memory_space<vmem>>, vector<16xf32>,
        %add3A_365 = arith.constant 32 : i32
        %add3A_366 = arith.addi %squeeze3A_332, %add3A_365 : i32
        %get3A_367 = arith.index_cast %add3A_366 : i32 to index
        %get3A_368 = tpu.vector_load %arg5[%get3A_367] {strides = array<i32>} : memref<384xf32, #tpu.memory_space<vmem>>, vector<16xf32>,
        %swap3A_369 = arith.index_cast %add3A_336 : i32 to index
        %swap3A_370 = arith.constant 32 : index
        %swap3A_371 = tpu.vector_load %arg9[%swap3A_369, %swap3A_370] {strides = array<i32>} : memref<400x128xf32, #tpu.memory_space<vmem>>, vector<16xf32>,
        tpu.vector_store %arg9[%swap3A_369, %swap3A_370], %get3A_368 {strides = array<i32>} : memref<400x128xf32, #tpu.memory_space<vmem>>, vector<16xf32>,
        %add3A_372 = arith.constant 32 : i32
        %add3A_373 = arith.addi %squeeze3A_334, %add3A_372 : i32
        %get3A_374 = arith.index_cast %add3A_373 : i32 to index
        %get3A_375 = tpu.vector_load %arg5[%get3A_374] {strides = array<i32>} : memref<384xf32, #tpu.memory_space<vmem>>, vector<16xf32>,
        %swap3A_376 = arith.index_cast %add3A_336 : i32 to index
        %swap3A_377 = arith.constant 96 : index
        %swap3A_378 = tpu.vector_load %arg9[%swap3A_376, %swap3A_377] {strides = array<i32>} : memref<400x128xf32, #tpu.memory_space<vmem>>, vector<16xf32>,
        tpu.vector_store %arg9[%swap3A_376, %swap3A_377], %get3A_375 {strides = array<i32>} : memref<400x128xf32, #tpu.memory_space<vmem>>, vector<16xf32>,
        %add3A_379 = arith.constant 48 : i32
        %add3A_380 = arith.addi %squeeze3A_332, %add3A_379 : i32
        %get3A_381 = arith.index_cast %add3A_380 : i32 to index
        %get3A_382 = tpu.vector_load %arg5[%get3A_381] {strides = array<i32>} : memref<384xf32, #tpu.memory_space<vmem>>, vector<16xf32>,
        %swap3A_383 = arith.index_cast %add3A_336 : i32 to index
        %swap3A_384 = arith.constant 48 : index
        %swap3A_385 = tpu.vector_load %arg9[%swap3A_383, %swap3A_384] {strides = array<i32>} : memref<400x128xf32, #tpu.memory_space<vmem>>, vector<16xf32>,
        tpu.vector_store %arg9[%swap3A_383, %swap3A_384], %get3A_382 {strides = array<i32>} : memref<400x128xf32, #tpu.memory_space<vmem>>, vector<16xf32>,
        %add3A_386 = arith.constant 48 : i32
        %add3A_387 = arith.addi %squeeze3A_334, %add3A_386 : i32
        %get3A_388 = arith.index_cast %add3A_387 : i32 to index
        %get3A_389 = tpu.vector_load %arg5[%get3A_388] {strides = array<i32>} : memref<384xf32, #tpu.memory_space<vmem>>, vector<16xf32>,
        %swap3A_390 = arith.index_cast %add3A_336 : i32 to index
        %swap3A_391 = arith.constant 112 : index
        %swap3A_392 = tpu.vector_load %arg9[%swap3A_390, %swap3A_391] {strides = array<i32>} : memref<400x128xf32, #tpu.memory_space<vmem>>, vector<16xf32>,
        tpu.vector_store %arg9[%swap3A_390, %swap3A_391], %get3A_389 {strides = array<i32>} : memref<400x128xf32, #tpu.memory_space<vmem>>, vector<16xf32>,
        %slice3A_393 = vector.extract_strided_slice %mul3A_269 {offsets = [4], sizes = [1], strides = [1]} : vector<16xi32> to vector<1xi32>
        %squeeze3A_394 = vector.extract %slice3A_393[0] : i32 from vector<1xi32>
        %slice3A_395 = vector.extract_strided_slice %mul3A_269 {offsets = [5], sizes = [1], strides = [1]} : vector<16xi32> to vector<1xi32>
        %squeeze3A_396 = vector.extract %slice3A_395[0] : i32 from vector<1xi32>
        %add3A_397 = arith.constant 2 : i32
        %add3A_398 = arith.addi %mul3A_271, %add3A_397 : i32
        %add3A_399 = arith.constant 0 : i32
        %add3A_400 = arith.addi %squeeze3A_394, %add3A_399 : i32
        %get3A_401 = arith.index_cast %add3A_400 : i32 to index
        %get3A_402 = tpu.vector_load %arg5[%get3A_401] {strides = array<i32>} : memref<384xf32, #tpu.memory_space<vmem>>, vector<16xf32>,
        %swap3A_403 = arith.index_cast %add3A_398 : i32 to index
        %swap3A_404 = arith.constant 0 : index
        %swap3A_405 = tpu.vector_load %arg9[%swap3A_403, %swap3A_404] {strides = array<i32>} : memref<400x128xf32, #tpu.memory_space<vmem>>, vector<16xf32>,
        tpu.vector_store %arg9[%swap3A_403, %swap3A_404], %get3A_402 {strides = array<i32>} : memref<400x128xf32, #tpu.memory_space<vmem>>, vector<16xf32>,
        %add3A_406 = arith.constant 0 : i32
        %add3A_407 = arith.addi %squeeze3A_396, %add3A_406 : i32
        %get3A_408 = arith.index_cast %add3A_407 : i32 to index
        %get3A_409 = tpu.vector_load %arg5[%get3A_408] {strides = array<i32>} : memref<384xf32, #tpu.memory_space<vmem>>, vector<16xf32>,
        %swap3A_410 = arith.index_cast %add3A_398 : i32 to index
        %swap3A_411 = arith.constant 64 : index
        %swap3A_412 = tpu.vector_load %arg9[%swap3A_410, %swap3A_411] {strides = array<i32>} : memref<400x128xf32, #tpu.memory_space<vmem>>, vector<16xf32>,
        tpu.vector_store %arg9[%swap3A_410, %swap3A_411], %get3A_409 {strides = array<i32>} : memref<400x128xf32, #tpu.memory_space<vmem>>, vector<16xf32>,
        %add3A_413 = arith.constant 16 : i32
        %add3A_414 = arith.addi %squeeze3A_394, %add3A_413 : i32
        %get3A_415 = arith.index_cast %add3A_414 : i32 to index
        %get3A_416 = tpu.vector_load %arg5[%get3A_415] {strides = array<i32>} : memref<384xf32, #tpu.memory_space<vmem>>, vector<16xf32>,
        %swap3A_417 = arith.index_cast %add3A_398 : i32 to index
        %swap3A_418 = arith.constant 16 : index
        %swap3A_419 = tpu.vector_load %arg9[%swap3A_417, %swap3A_418] {strides = array<i32>} : memref<400x128xf32, #tpu.memory_space<vmem>>, vector<16xf32>,
        tpu.vector_store %arg9[%swap3A_417, %swap3A_418], %get3A_416 {strides = array<i32>} : memref<400x128xf32, #tpu.memory_space<vmem>>, vector<16xf32>,
        %add3A_420 = arith.constant 16 : i32
        %add3A_421 = arith.addi %squeeze3A_396, %add3A_420 : i32
        %get3A_422 = arith.index_cast %add3A_421 : i32 to index
        %get3A_423 = tpu.vector_load %arg5[%get3A_422] {strides = array<i32>} : memref<384xf32, #tpu.memory_space<vmem>>, vector<16xf32>,
        %swap3A_424 = arith.index_cast %add3A_398 : i32 to index
        %swap3A_425 = arith.constant 80 : index
        %swap3A_426 = tpu.vector_load %arg9[%swap3A_424, %swap3A_425] {strides = array<i32>} : memref<400x128xf32, #tpu.memory_space<vmem>>, vector<16xf32>,
        tpu.vector_store %arg9[%swap3A_424, %swap3A_425], %get3A_423 {strides = array<i32>} : memref<400x128xf32, #tpu.memory_space<vmem>>, vector<16xf32>,
        %add3A_427 = arith.constant 32 : i32
        %add3A_428 = arith.addi %squeeze3A_394, %add3A_427 : i32
        %get3A_429 = arith.index_cast %add3A_428 : i32 to index
        %get3A_430 = tpu.vector_load %arg5[%get3A_429] {strides = array<i32>} : memref<384xf32, #tpu.memory_space<vmem>>, vector<16xf32>,
        %swap3A_431 = arith.index_cast %add3A_398 : i32 to index
        %swap3A_432 = arith.constant 32 : index
        %swap3A_433 = tpu.vector_load %arg9[%swap3A_431, %swap3A_432] {strides = array<i32>} : memref<400x128xf32, #tpu.memory_space<vmem>>, vector<16xf32>,
        tpu.vector_store %arg9[%swap3A_431, %swap3A_432], %get3A_430 {strides = array<i32>} : memref<400x128xf32, #tpu.memory_space<vmem>>, vector<16xf32>,
        %add3A_434 = arith.constant 32 : i32
        %add3A_435 = arith.addi %squeeze3A_396, %add3A_434 : i32
        %get3A_436 = arith.index_cast %add3A_435 : i32 to index
        %get3A_437 = tpu.vector_load %arg5[%get3A_436] {strides = array<i32>} : memref<384xf32, #tpu.memory_space<vmem>>, vector<16xf32>,
        %swap3A_438 = arith.index_cast %add3A_398 : i32 to index
        %swap3A_439 = arith.constant 96 : index
        %swap3A_440 = tpu.vector_load %arg9[%swap3A_438, %swap3A_439] {strides = array<i32>} : memref<400x128xf32, #tpu.memory_space<vmem>>, vector<16xf32>,
        tpu.vector_store %arg9[%swap3A_438, %swap3A_439], %get3A_437 {strides = array<i32>} : memref<400x128xf32, #tpu.memory_space<vmem>>, vector<16xf32>,
        %add3A_441 = arith.constant 48 : i32
        %add3A_442 = arith.addi %squeeze3A_394, %add3A_441 : i32
        %get3A_443 = arith.index_cast %add3A_442 : i32 to index
        %get3A_444 = tpu.vector_load %arg5[%get3A_443] {strides = array<i32>} : memref<384xf32, #tpu.memory_space<vmem>>, vector<16xf32>,
        %swap3A_445 = arith.index_cast %add3A_398 : i32 to index
        %swap3A_446 = arith.constant 48 : index
        %swap3A_447 = tpu.vector_load %arg9[%swap3A_445, %swap3A_446] {strides = array<i32>} : memref<400x128xf32, #tpu.memory_space<vmem>>, vector<16xf32>,
        tpu.vector_store %arg9[%swap3A_445, %swap3A_446], %get3A_444 {strides = array<i32>} : memref<400x128xf32, #tpu.memory_space<vmem>>, vector<16xf32>,
        %add3A_448 = arith.constant 48 : i32
        %add3A_449 = arith.addi %squeeze3A_396, %add3A_448 : i32
        %get3A_450 = arith.index_cast %add3A_449 : i32 to index
        %get3A_451 = tpu.vector_load %arg5[%get3A_450] {strides = array<i32>} : memref<384xf32, #tpu.memory_space<vmem>>, vector<16xf32>,
        %swap3A_452 = arith.index_cast %add3A_398 : i32 to index
        %swap3A_453 = arith.constant 112 : index
        %swap3A_454 = tpu.vector_load %arg9[%swap3A_452, %swap3A_453] {strides = array<i32>} : memref<400x128xf32, #tpu.memory_space<vmem>>, vector<16xf32>,
        tpu.vector_store %arg9[%swap3A_452, %swap3A_453], %get3A_451 {strides = array<i32>} : memref<400x128xf32, #tpu.memory_space<vmem>>, vector<16xf32>,
        %slice3A_455 = vector.extract_strided_slice %mul3A_269 {offsets = [6], sizes = [1], strides = [1]} : vector<16xi32> to vector<1xi32>
        %squeeze3A_456 = vector.extract %slice3A_455[0] : i32 from vector<1xi32>
        %slice3A_457 = vector.extract_strided_slice %mul3A_269 {offsets = [7], sizes = [1], strides = [1]} : vector<16xi32> to vector<1xi32>
        %squeeze3A_458 = vector.extract %slice3A_457[0] : i32 from vector<1xi32>
        %add3A_459 = arith.constant 3 : i32
        %add3A_460 = arith.addi %mul3A_271, %add3A_459 : i32
        %add3A_461 = arith.constant 0 : i32
        %add3A_462 = arith.addi %squeeze3A_456, %add3A_461 : i32
        %get3A_463 = arith.index_cast %add3A_462 : i32 to index
        %get3A_464 = tpu.vector_load %arg5[%get3A_463] {strides = array<i32>} : memref<384xf32, #tpu.memory_space<vmem>>, vector<16xf32>,
        %swap3A_465 = arith.index_cast %add3A_460 : i32 to index
        %swap3A_466 = arith.constant 0 : index
        %swap3A_467 = tpu.vector_load %arg9[%swap3A_465, %swap3A_466] {strides = array<i32>} : memref<400x128xf32, #tpu.memory_space<vmem>>, vector<16xf32>,
        tpu.vector_store %arg9[%swap3A_465, %swap3A_466], %get3A_464 {strides = array<i32>} : memref<400x128xf32, #tpu.memory_space<vmem>>, vector<16xf32>,
        %add3A_468 = arith.constant 0 : i32
        %add3A_469 = arith.addi %squeeze3A_458, %add3A_468 : i32
        %get3A_470 = arith.index_cast %add3A_469 : i32 to index
        %get3A_471 = tpu.vector_load %arg5[%get3A_470] {strides = array<i32>} : memref<384xf32, #tpu.memory_space<vmem>>, vector<16xf32>,
        %swap3A_472 = arith.index_cast %add3A_460 : i32 to index
        %swap3A_473 = arith.constant 64 : index
        %swap3A_474 = tpu.vector_load %arg9[%swap3A_472, %swap3A_473] {strides = array<i32>} : memref<400x128xf32, #tpu.memory_space<vmem>>, vector<16xf32>,
        tpu.vector_store %arg9[%swap3A_472, %swap3A_473], %get3A_471 {strides = array<i32>} : memref<400x128xf32, #tpu.memory_space<vmem>>, vector<16xf32>,
        %add3A_475 = arith.constant 16 : i32
        %add3A_476 = arith.addi %squeeze3A_456, %add3A_475 : i32
        %get3A_477 = arith.index_cast %add3A_476 : i32 to index
        %get3A_478 = tpu.vector_load %arg5[%get3A_477] {strides = array<i32>} : memref<384xf32, #tpu.memory_space<vmem>>, vector<16xf32>,
        %swap3A_479 = arith.index_cast %add3A_460 : i32 to index
        %swap3A_480 = arith.constant 16 : index
        %swap3A_481 = tpu.vector_load %arg9[%swap3A_479, %swap3A_480] {strides = array<i32>} : memref<400x128xf32, #tpu.memory_space<vmem>>, vector<16xf32>,
        tpu.vector_store %arg9[%swap3A_479, %swap3A_480], %get3A_478 {strides = array<i32>} : memref<400x128xf32, #tpu.memory_space<vmem>>, vector<16xf32>,
        %add3A_482 = arith.constant 16 : i32
        %add3A_483 = arith.addi %squeeze3A_458, %add3A_482 : i32
        %get3A_484 = arith.index_cast %add3A_483 : i32 to index
        %get3A_485 = tpu.vector_load %arg5[%get3A_484] {strides = array<i32>} : memref<384xf32, #tpu.memory_space<vmem>>, vector<16xf32>,
        %swap3A_486 = arith.index_cast %add3A_460 : i32 to index
        %swap3A_487 = arith.constant 80 : index
        %swap3A_488 = tpu.vector_load %arg9[%swap3A_486, %swap3A_487] {strides = array<i32>} : memref<400x128xf32, #tpu.memory_space<vmem>>, vector<16xf32>,
        tpu.vector_store %arg9[%swap3A_486, %swap3A_487], %get3A_485 {strides = array<i32>} : memref<400x128xf32, #tpu.memory_space<vmem>>, vector<16xf32>,
        %add3A_489 = arith.constant 32 : i32
        %add3A_490 = arith.addi %squeeze3A_456, %add3A_489 : i32
        %get3A_491 = arith.index_cast %add3A_490 : i32 to index
        %get3A_492 = tpu.vector_load %arg5[%get3A_491] {strides = array<i32>} : memref<384xf32, #tpu.memory_space<vmem>>, vector<16xf32>,
        %swap3A_493 = arith.index_cast %add3A_460 : i32 to index
        %swap3A_494 = arith.constant 32 : index
        %swap3A_495 = tpu.vector_load %arg9[%swap3A_493, %swap3A_494] {strides = array<i32>} : memref<400x128xf32, #tpu.memory_space<vmem>>, vector<16xf32>,
        tpu.vector_store %arg9[%swap3A_493, %swap3A_494], %get3A_492 {strides = array<i32>} : memref<400x128xf32, #tpu.memory_space<vmem>>, vector<16xf32>,
        %add3A_496 = arith.constant 32 : i32
        %add3A_497 = arith.addi %squeeze3A_458, %add3A_496 : i32
        %get3A_498 = arith.index_cast %add3A_497 : i32 to index
        %get3A_499 = tpu.vector_load %arg5[%get3A_498] {strides = array<i32>} : memref<384xf32, #tpu.memory_space<vmem>>, vector<16xf32>,
        %swap3A_500 = arith.index_cast %add3A_460 : i32 to index
        %swap3A_501 = arith.constant 96 : index
        %swap3A_502 = tpu.vector_load %arg9[%swap3A_500, %swap3A_501] {strides = array<i32>} : memref<400x128xf32, #tpu.memory_space<vmem>>, vector<16xf32>,
        tpu.vector_store %arg9[%swap3A_500, %swap3A_501], %get3A_499 {strides = array<i32>} : memref<400x128xf32, #tpu.memory_space<vmem>>, vector<16xf32>,
        %add3A_503 = arith.constant 48 : i32
        %add3A_504 = arith.addi %squeeze3A_456, %add3A_503 : i32
        %get3A_505 = arith.index_cast %add3A_504 : i32 to index
        %get3A_506 = tpu.vector_load %arg5[%get3A_505] {strides = array<i32>} : memref<384xf32, #tpu.memory_space<vmem>>, vector<16xf32>,
        %swap3A_507 = arith.index_cast %add3A_460 : i32 to index
        %swap3A_508 = arith.constant 48 : index
        %swap3A_509 = tpu.vector_load %arg9[%swap3A_507, %swap3A_508] {strides = array<i32>} : memref<400x128xf32, #tpu.memory_space<vmem>>, vector<16xf32>,
        tpu.vector_store %arg9[%swap3A_507, %swap3A_508], %get3A_506 {strides = array<i32>} : memref<400x128xf32, #tpu.memory_space<vmem>>, vector<16xf32>,
        %add3A_510 = arith.constant 48 : i32
        %add3A_511 = arith.addi %squeeze3A_458, %add3A_510 : i32
        %get3A_512 = arith.index_cast %add3A_511 : i32 to index
        %get3A_513 = tpu.vector_load %arg5[%get3A_512] {strides = array<i32>} : memref<384xf32, #tpu.memory_space<vmem>>, vector<16xf32>,
        %swap3A_514 = arith.index_cast %add3A_460 : i32 to index
        %swap3A_515 = arith.constant 112 : index
        %swap3A_516 = tpu.vector_load %arg9[%swap3A_514, %swap3A_515] {strides = array<i32>} : memref<400x128xf32, #tpu.memory_space<vmem>>, vector<16xf32>,
        tpu.vector_store %arg9[%swap3A_514, %swap3A_515], %get3A_513 {strides = array<i32>} : memref<400x128xf32, #tpu.memory_space<vmem>>, vector<16xf32>,
        %slice3A_517 = vector.extract_strided_slice %mul3A_269 {offsets = [8], sizes = [1], strides = [1]} : vector<16xi32> to vector<1xi32>
        %squeeze3A_518 = vector.extract %slice3A_517[0] : i32 from vector<1xi32>
        %slice3A_519 = vector.extract_strided_slice %mul3A_269 {offsets = [9], sizes = [1], strides = [1]} : vector<16xi32> to vector<1xi32>
        %squeeze3A_520 = vector.extract %slice3A_519[0] : i32 from vector<1xi32>
        %add3A_521 = arith.constant 4 : i32
        %add3A_522 = arith.addi %mul3A_271, %add3A_521 : i32
        %add3A_523 = arith.constant 0 : i32
        %add3A_524 = arith.addi %squeeze3A_518, %add3A_523 : i32
        %get3A_525 = arith.index_cast %add3A_524 : i32 to index
        %get3A_526 = tpu.vector_load %arg5[%get3A_525] {strides = array<i32>} : memref<384xf32, #tpu.memory_space<vmem>>, vector<16xf32>,
        %swap3A_527 = arith.index_cast %add3A_522 : i32 to index
        %swap3A_528 = arith.constant 0 : index
        %swap3A_529 = tpu.vector_load %arg9[%swap3A_527, %swap3A_528] {strides = array<i32>} : memref<400x128xf32, #tpu.memory_space<vmem>>, vector<16xf32>,
        tpu.vector_store %arg9[%swap3A_527, %swap3A_528], %get3A_526 {strides = array<i32>} : memref<400x128xf32, #tpu.memory_space<vmem>>, vector<16xf32>,
        %add3A_530 = arith.constant 0 : i32
        %add3A_531 = arith.addi %squeeze3A_520, %add3A_530 : i32
        %get3A_532 = arith.index_cast %add3A_531 : i32 to index
        %get3A_533 = tpu.vector_load %arg5[%get3A_532] {strides = array<i32>} : memref<384xf32, #tpu.memory_space<vmem>>, vector<16xf32>,
        %swap3A_534 = arith.index_cast %add3A_522 : i32 to index
        %swap3A_535 = arith.constant 64 : index
        %swap3A_536 = tpu.vector_load %arg9[%swap3A_534, %swap3A_535] {strides = array<i32>} : memref<400x128xf32, #tpu.memory_space<vmem>>, vector<16xf32>,
        tpu.vector_store %arg9[%swap3A_534, %swap3A_535], %get3A_533 {strides = array<i32>} : memref<400x128xf32, #tpu.memory_space<vmem>>, vector<16xf32>,
        %add3A_537 = arith.constant 16 : i32
        %add3A_538 = arith.addi %squeeze3A_518, %add3A_537 : i32
        %get3A_539 = arith.index_cast %add3A_538 : i32 to index
        %get3A_540 = tpu.vector_load %arg5[%get3A_539] {strides = array<i32>} : memref<384xf32, #tpu.memory_space<vmem>>, vector<16xf32>,
        %swap3A_541 = arith.index_cast %add3A_522 : i32 to index
        %swap3A_542 = arith.constant 16 : index
        %swap3A_543 = tpu.vector_load %arg9[%swap3A_541, %swap3A_542] {strides = array<i32>} : memref<400x128xf32, #tpu.memory_space<vmem>>, vector<16xf32>,
        tpu.vector_store %arg9[%swap3A_541, %swap3A_542], %get3A_540 {strides = array<i32>} : memref<400x128xf32, #tpu.memory_space<vmem>>, vector<16xf32>,
        %add3A_544 = arith.constant 16 : i32
        %add3A_545 = arith.addi %squeeze3A_520, %add3A_544 : i32
        %get3A_546 = arith.index_cast %add3A_545 : i32 to index
        %get3A_547 = tpu.vector_load %arg5[%get3A_546] {strides = array<i32>} : memref<384xf32, #tpu.memory_space<vmem>>, vector<16xf32>,
        %swap3A_548 = arith.index_cast %add3A_522 : i32 to index
        %swap3A_549 = arith.constant 80 : index
        %swap3A_550 = tpu.vector_load %arg9[%swap3A_548, %swap3A_549] {strides = array<i32>} : memref<400x128xf32, #tpu.memory_space<vmem>>, vector<16xf32>,
        tpu.vector_store %arg9[%swap3A_548, %swap3A_549], %get3A_547 {strides = array<i32>} : memref<400x128xf32, #tpu.memory_space<vmem>>, vector<16xf32>,
        %add3A_551 = arith.constant 32 : i32
        %add3A_552 = arith.addi %squeeze3A_518, %add3A_551 : i32
        %get3A_553 = arith.index_cast %add3A_552 : i32 to index
        %get3A_554 = tpu.vector_load %arg5[%get3A_553] {strides = array<i32>} : memref<384xf32, #tpu.memory_space<vmem>>, vector<16xf32>,
        %swap3A_555 = arith.index_cast %add3A_522 : i32 to index
        %swap3A_556 = arith.constant 32 : index
        %swap3A_557 = tpu.vector_load %arg9[%swap3A_555, %swap3A_556] {strides = array<i32>} : memref<400x128xf32, #tpu.memory_space<vmem>>, vector<16xf32>,
        tpu.vector_store %arg9[%swap3A_555, %swap3A_556], %get3A_554 {strides = array<i32>} : memref<400x128xf32, #tpu.memory_space<vmem>>, vector<16xf32>,
        %add3A_558 = arith.constant 32 : i32
        %add3A_559 = arith.addi %squeeze3A_520, %add3A_558 : i32
        %get3A_560 = arith.index_cast %add3A_559 : i32 to index
        %get3A_561 = tpu.vector_load %arg5[%get3A_560] {strides = array<i32>} : memref<384xf32, #tpu.memory_space<vmem>>, vector<16xf32>,
        %swap3A_562 = arith.index_cast %add3A_522 : i32 to index
        %swap3A_563 = arith.constant 96 : index
        %swap3A_564 = tpu.vector_load %arg9[%swap3A_562, %swap3A_563] {strides = array<i32>} : memref<400x128xf32, #tpu.memory_space<vmem>>, vector<16xf32>,
        tpu.vector_store %arg9[%swap3A_562, %swap3A_563], %get3A_561 {strides = array<i32>} : memref<400x128xf32, #tpu.memory_space<vmem>>, vector<16xf32>,
        %add3A_565 = arith.constant 48 : i32
        %add3A_566 = arith.addi %squeeze3A_518, %add3A_565 : i32
        %get3A_567 = arith.index_cast %add3A_566 : i32 to index
        %get3A_568 = tpu.vector_load %arg5[%get3A_567] {strides = array<i32>} : memref<384xf32, #tpu.memory_space<vmem>>, vector<16xf32>,
        %swap3A_569 = arith.index_cast %add3A_522 : i32 to index
        %swap3A_570 = arith.constant 48 : index
        %swap3A_571 = tpu.vector_load %arg9[%swap3A_569, %swap3A_570] {strides = array<i32>} : memref<400x128xf32, #tpu.memory_space<vmem>>, vector<16xf32>,
        tpu.vector_store %arg9[%swap3A_569, %swap3A_570], %get3A_568 {strides = array<i32>} : memref<400x128xf32, #tpu.memory_space<vmem>>, vector<16xf32>,
        %add3A_572 = arith.constant 48 : i32
        %add3A_573 = arith.addi %squeeze3A_520, %add3A_572 : i32
        %get3A_574 = arith.index_cast %add3A_573 : i32 to index
        %get3A_575 = tpu.vector_load %arg5[%get3A_574] {strides = array<i32>} : memref<384xf32, #tpu.memory_space<vmem>>, vector<16xf32>,
        %swap3A_576 = arith.index_cast %add3A_522 : i32 to index
        %swap3A_577 = arith.constant 112 : index
        %swap3A_578 = tpu.vector_load %arg9[%swap3A_576, %swap3A_577] {strides = array<i32>} : memref<400x128xf32, #tpu.memory_space<vmem>>, vector<16xf32>,
        tpu.vector_store %arg9[%swap3A_576, %swap3A_577], %get3A_575 {strides = array<i32>} : memref<400x128xf32, #tpu.memory_space<vmem>>, vector<16xf32>,
        %slice3A_579 = vector.extract_strided_slice %mul3A_269 {offsets = [10], sizes = [1], strides = [1]} : vector<16xi32> to vector<1xi32>
        %squeeze3A_580 = vector.extract %slice3A_579[0] : i32 from vector<1xi32>
        %slice3A_581 = vector.extract_strided_slice %mul3A_269 {offsets = [11], sizes = [1], strides = [1]} : vector<16xi32> to vector<1xi32>
        %squeeze3A_582 = vector.extract %slice3A_581[0] : i32 from vector<1xi32>
        %add3A_583 = arith.constant 5 : i32
        %add3A_584 = arith.addi %mul3A_271, %add3A_583 : i32
        %add3A_585 = arith.constant 0 : i32
        %add3A_586 = arith.addi %squeeze3A_580, %add3A_585 : i32
        %get3A_587 = arith.index_cast %add3A_586 : i32 to index
        %get3A_588 = tpu.vector_load %arg5[%get3A_587] {strides = array<i32>} : memref<384xf32, #tpu.memory_space<vmem>>, vector<16xf32>,
        %swap3A_589 = arith.index_cast %add3A_584 : i32 to index
        %swap3A_590 = arith.constant 0 : index
        %swap3A_591 = tpu.vector_load %arg9[%swap3A_589, %swap3A_590] {strides = array<i32>} : memref<400x128xf32, #tpu.memory_space<vmem>>, vector<16xf32>,
        tpu.vector_store %arg9[%swap3A_589, %swap3A_590], %get3A_588 {strides = array<i32>} : memref<400x128xf32, #tpu.memory_space<vmem>>, vector<16xf32>,
        %add3A_592 = arith.constant 0 : i32
        %add3A_593 = arith.addi %squeeze3A_582, %add3A_592 : i32
        %get3A_594 = arith.index_cast %add3A_593 : i32 to index
        %get3A_595 = tpu.vector_load %arg5[%get3A_594] {strides = array<i32>} : memref<384xf32, #tpu.memory_space<vmem>>, vector<16xf32>,
        %swap3A_596 = arith.index_cast %add3A_584 : i32 to index
        %swap3A_597 = arith.constant 64 : index
        %swap3A_598 = tpu.vector_load %arg9[%swap3A_596, %swap3A_597] {strides = array<i32>} : memref<400x128xf32, #tpu.memory_space<vmem>>, vector<16xf32>,
        tpu.vector_store %arg9[%swap3A_596, %swap3A_597], %get3A_595 {strides = array<i32>} : memref<400x128xf32, #tpu.memory_space<vmem>>, vector<16xf32>,
        %add3A_599 = arith.constant 16 : i32
        %add3A_600 = arith.addi %squeeze3A_580, %add3A_599 : i32
        %get3A_601 = arith.index_cast %add3A_600 : i32 to index
        %get3A_602 = tpu.vector_load %arg5[%get3A_601] {strides = array<i32>} : memref<384xf32, #tpu.memory_space<vmem>>, vector<16xf32>,
        %swap3A_603 = arith.index_cast %add3A_584 : i32 to index
        %swap3A_604 = arith.constant 16 : index
        %swap3A_605 = tpu.vector_load %arg9[%swap3A_603, %swap3A_604] {strides = array<i32>} : memref<400x128xf32, #tpu.memory_space<vmem>>, vector<16xf32>,
        tpu.vector_store %arg9[%swap3A_603, %swap3A_604], %get3A_602 {strides = array<i32>} : memref<400x128xf32, #tpu.memory_space<vmem>>, vector<16xf32>,
        %add3A_606 = arith.constant 16 : i32
        %add3A_607 = arith.addi %squeeze3A_582, %add3A_606 : i32
        %get3A_608 = arith.index_cast %add3A_607 : i32 to index
        %get3A_609 = tpu.vector_load %arg5[%get3A_608] {strides = array<i32>} : memref<384xf32, #tpu.memory_space<vmem>>, vector<16xf32>,
        %swap3A_610 = arith.index_cast %add3A_584 : i32 to index
        %swap3A_611 = arith.constant 80 : index
        %swap3A_612 = tpu.vector_load %arg9[%swap3A_610, %swap3A_611] {strides = array<i32>} : memref<400x128xf32, #tpu.memory_space<vmem>>, vector<16xf32>,
        tpu.vector_store %arg9[%swap3A_610, %swap3A_611], %get3A_609 {strides = array<i32>} : memref<400x128xf32, #tpu.memory_space<vmem>>, vector<16xf32>,
        %add3A_613 = arith.constant 32 : i32
        %add3A_614 = arith.addi %squeeze3A_580, %add3A_613 : i32
        %get3A_615 = arith.index_cast %add3A_614 : i32 to index
        %get3A_616 = tpu.vector_load %arg5[%get3A_615] {strides = array<i32>} : memref<384xf32, #tpu.memory_space<vmem>>, vector<16xf32>,
        %swap3A_617 = arith.index_cast %add3A_584 : i32 to index
        %swap3A_618 = arith.constant 32 : index
        %swap3A_619 = tpu.vector_load %arg9[%swap3A_617, %swap3A_618] {strides = array<i32>} : memref<400x128xf32, #tpu.memory_space<vmem>>, vector<16xf32>,
        tpu.vector_store %arg9[%swap3A_617, %swap3A_618], %get3A_616 {strides = array<i32>} : memref<400x128xf32, #tpu.memory_space<vmem>>, vector<16xf32>,
        %add3A_620 = arith.constant 32 : i32
        %add3A_621 = arith.addi %squeeze3A_582, %add3A_620 : i32
        %get3A_622 = arith.index_cast %add3A_621 : i32 to index
        %get3A_623 = tpu.vector_load %arg5[%get3A_622] {strides = array<i32>} : memref<384xf32, #tpu.memory_space<vmem>>, vector<16xf32>,
        %swap3A_624 = arith.index_cast %add3A_584 : i32 to index
        %swap3A_625 = arith.constant 96 : index
        %swap3A_626 = tpu.vector_load %arg9[%swap3A_624, %swap3A_625] {strides = array<i32>} : memref<400x128xf32, #tpu.memory_space<vmem>>, vector<16xf32>,
        tpu.vector_store %arg9[%swap3A_624, %swap3A_625], %get3A_623 {strides = array<i32>} : memref<400x128xf32, #tpu.memory_space<vmem>>, vector<16xf32>,
        %add3A_627 = arith.constant 48 : i32
        %add3A_628 = arith.addi %squeeze3A_580, %add3A_627 : i32
        %get3A_629 = arith.index_cast %add3A_628 : i32 to index
        %get3A_630 = tpu.vector_load %arg5[%get3A_629] {strides = array<i32>} : memref<384xf32, #tpu.memory_space<vmem>>, vector<16xf32>,
        %swap3A_631 = arith.index_cast %add3A_584 : i32 to index
        %swap3A_632 = arith.constant 48 : index
        %swap3A_633 = tpu.vector_load %arg9[%swap3A_631, %swap3A_632] {strides = array<i32>} : memref<400x128xf32, #tpu.memory_space<vmem>>, vector<16xf32>,
        tpu.vector_store %arg9[%swap3A_631, %swap3A_632], %get3A_630 {strides = array<i32>} : memref<400x128xf32, #tpu.memory_space<vmem>>, vector<16xf32>,
        %add3A_634 = arith.constant 48 : i32
        %add3A_635 = arith.addi %squeeze3A_582, %add3A_634 : i32
        %get3A_636 = arith.index_cast %add3A_635 : i32 to index
        %get3A_637 = tpu.vector_load %arg5[%get3A_636] {strides = array<i32>} : memref<384xf32, #tpu.memory_space<vmem>>, vector<16xf32>,
        %swap3A_638 = arith.index_cast %add3A_584 : i32 to index
        %swap3A_639 = arith.constant 112 : index
        %swap3A_640 = tpu.vector_load %arg9[%swap3A_638, %swap3A_639] {strides = array<i32>} : memref<400x128xf32, #tpu.memory_space<vmem>>, vector<16xf32>,
        tpu.vector_store %arg9[%swap3A_638, %swap3A_639], %get3A_637 {strides = array<i32>} : memref<400x128xf32, #tpu.memory_space<vmem>>, vector<16xf32>,
        %slice3A_641 = vector.extract_strided_slice %mul3A_269 {offsets = [12], sizes = [1], strides = [1]} : vector<16xi32> to vector<1xi32>
        %squeeze3A_642 = vector.extract %slice3A_641[0] : i32 from vector<1xi32>
        %slice3A_643 = vector.extract_strided_slice %mul3A_269 {offsets = [13], sizes = [1], strides = [1]} : vector<16xi32> to vector<1xi32>
        %squeeze3A_644 = vector.extract %slice3A_643[0] : i32 from vector<1xi32>
        %add3A_645 = arith.constant 6 : i32
        %add3A_646 = arith.addi %mul3A_271, %add3A_645 : i32
        %add3A_647 = arith.constant 0 : i32
        %add3A_648 = arith.addi %squeeze3A_642, %add3A_647 : i32
        %get3A_649 = arith.index_cast %add3A_648 : i32 to index
        %get3A_650 = tpu.vector_load %arg5[%get3A_649] {strides = array<i32>} : memref<384xf32, #tpu.memory_space<vmem>>, vector<16xf32>,
        %swap3A_651 = arith.index_cast %add3A_646 : i32 to index
        %swap3A_652 = arith.constant 0 : index
        %swap3A_653 = tpu.vector_load %arg9[%swap3A_651, %swap3A_652] {strides = array<i32>} : memref<400x128xf32, #tpu.memory_space<vmem>>, vector<16xf32>,
        tpu.vector_store %arg9[%swap3A_651, %swap3A_652], %get3A_650 {strides = array<i32>} : memref<400x128xf32, #tpu.memory_space<vmem>>, vector<16xf32>,
        %add3A_654 = arith.constant 0 : i32
        %add3A_655 = arith.addi %squeeze3A_644, %add3A_654 : i32
        %get3A_656 = arith.index_cast %add3A_655 : i32 to index
        %get3A_657 = tpu.vector_load %arg5[%get3A_656] {strides = array<i32>} : memref<384xf32, #tpu.memory_space<vmem>>, vector<16xf32>,
        %swap3A_658 = arith.index_cast %add3A_646 : i32 to index
        %swap3A_659 = arith.constant 64 : index
        %swap3A_660 = tpu.vector_load %arg9[%swap3A_658, %swap3A_659] {strides = array<i32>} : memref<400x128xf32, #tpu.memory_space<vmem>>, vector<16xf32>,
        tpu.vector_store %arg9[%swap3A_658, %swap3A_659], %get3A_657 {strides = array<i32>} : memref<400x128xf32, #tpu.memory_space<vmem>>, vector<16xf32>,
        %add3A_661 = arith.constant 16 : i32
        %add3A_662 = arith.addi %squeeze3A_642, %add3A_661 : i32
        %get3A_663 = arith.index_cast %add3A_662 : i32 to index
        %get3A_664 = tpu.vector_load %arg5[%get3A_663] {strides = array<i32>} : memref<384xf32, #tpu.memory_space<vmem>>, vector<16xf32>,
        %swap3A_665 = arith.index_cast %add3A_646 : i32 to index
        %swap3A_666 = arith.constant 16 : index
        %swap3A_667 = tpu.vector_load %arg9[%swap3A_665, %swap3A_666] {strides = array<i32>} : memref<400x128xf32, #tpu.memory_space<vmem>>, vector<16xf32>,
        tpu.vector_store %arg9[%swap3A_665, %swap3A_666], %get3A_664 {strides = array<i32>} : memref<400x128xf32, #tpu.memory_space<vmem>>, vector<16xf32>,
        %add3A_668 = arith.constant 16 : i32
        %add3A_669 = arith.addi %squeeze3A_644, %add3A_668 : i32
        %get3A_670 = arith.index_cast %add3A_669 : i32 to index
        %get3A_671 = tpu.vector_load %arg5[%get3A_670] {strides = array<i32>} : memref<384xf32, #tpu.memory_space<vmem>>, vector<16xf32>,
        %swap3A_672 = arith.index_cast %add3A_646 : i32 to index
        %swap3A_673 = arith.constant 80 : index
        %swap3A_674 = tpu.vector_load %arg9[%swap3A_672, %swap3A_673] {strides = array<i32>} : memref<400x128xf32, #tpu.memory_space<vmem>>, vector<16xf32>,
        tpu.vector_store %arg9[%swap3A_672, %swap3A_673], %get3A_671 {strides = array<i32>} : memref<400x128xf32, #tpu.memory_space<vmem>>, vector<16xf32>,
        %add3A_675 = arith.constant 32 : i32
        %add3A_676 = arith.addi %squeeze3A_642, %add3A_675 : i32
        %get3A_677 = arith.index_cast %add3A_676 : i32 to index
        %get3A_678 = tpu.vector_load %arg5[%get3A_677] {strides = array<i32>} : memref<384xf32, #tpu.memory_space<vmem>>, vector<16xf32>,
        %swap3A_679 = arith.index_cast %add3A_646 : i32 to index
        %swap3A_680 = arith.constant 32 : index
        %swap3A_681 = tpu.vector_load %arg9[%swap3A_679, %swap3A_680] {strides = array<i32>} : memref<400x128xf32, #tpu.memory_space<vmem>>, vector<16xf32>,
        tpu.vector_store %arg9[%swap3A_679, %swap3A_680], %get3A_678 {strides = array<i32>} : memref<400x128xf32, #tpu.memory_space<vmem>>, vector<16xf32>,
        %add3A_682 = arith.constant 32 : i32
        %add3A_683 = arith.addi %squeeze3A_644, %add3A_682 : i32
        %get3A_684 = arith.index_cast %add3A_683 : i32 to index
        %get3A_685 = tpu.vector_load %arg5[%get3A_684] {strides = array<i32>} : memref<384xf32, #tpu.memory_space<vmem>>, vector<16xf32>,
        %swap3A_686 = arith.index_cast %add3A_646 : i32 to index
        %swap3A_687 = arith.constant 96 : index
        %swap3A_688 = tpu.vector_load %arg9[%swap3A_686, %swap3A_687] {strides = array<i32>} : memref<400x128xf32, #tpu.memory_space<vmem>>, vector<16xf32>,
        tpu.vector_store %arg9[%swap3A_686, %swap3A_687], %get3A_685 {strides = array<i32>} : memref<400x128xf32, #tpu.memory_space<vmem>>, vector<16xf32>,
        %add3A_689 = arith.constant 48 : i32
        %add3A_690 = arith.addi %squeeze3A_642, %add3A_689 : i32
        %get3A_691 = arith.index_cast %add3A_690 : i32 to index
        %get3A_692 = tpu.vector_load %arg5[%get3A_691] {strides = array<i32>} : memref<384xf32, #tpu.memory_space<vmem>>, vector<16xf32>,
        %swap3A_693 = arith.index_cast %add3A_646 : i32 to index
        %swap3A_694 = arith.constant 48 : index
        %swap3A_695 = tpu.vector_load %arg9[%swap3A_693, %swap3A_694] {strides = array<i32>} : memref<400x128xf32, #tpu.memory_space<vmem>>, vector<16xf32>,
        tpu.vector_store %arg9[%swap3A_693, %swap3A_694], %get3A_692 {strides = array<i32>} : memref<400x128xf32, #tpu.memory_space<vmem>>, vector<16xf32>,
        %add3A_696 = arith.constant 48 : i32
        %add3A_697 = arith.addi %squeeze3A_644, %add3A_696 : i32
        %get3A_698 = arith.index_cast %add3A_697 : i32 to index
        %get3A_699 = tpu.vector_load %arg5[%get3A_698] {strides = array<i32>} : memref<384xf32, #tpu.memory_space<vmem>>, vector<16xf32>,
        %swap3A_700 = arith.index_cast %add3A_646 : i32 to index
        %swap3A_701 = arith.constant 112 : index
        %swap3A_702 = tpu.vector_load %arg9[%swap3A_700, %swap3A_701] {strides = array<i32>} : memref<400x128xf32, #tpu.memory_space<vmem>>, vector<16xf32>,
        tpu.vector_store %arg9[%swap3A_700, %swap3A_701], %get3A_699 {strides = array<i32>} : memref<400x128xf32, #tpu.memory_space<vmem>>, vector<16xf32>,
        %slice3A_703 = vector.extract_strided_slice %mul3A_269 {offsets = [14], sizes = [1], strides = [1]} : vector<16xi32> to vector<1xi32>
        %squeeze3A_704 = vector.extract %slice3A_703[0] : i32 from vector<1xi32>
        %slice3A_705 = vector.extract_strided_slice %mul3A_269 {offsets = [15], sizes = [1], strides = [1]} : vector<16xi32> to vector<1xi32>
        %squeeze3A_706 = vector.extract %slice3A_705[0] : i32 from vector<1xi32>
        %add3A_707 = arith.constant 7 : i32
        %add3A_708 = arith.addi %mul3A_271, %add3A_707 : i32
        %add3A_709 = arith.constant 0 : i32
        %add3A_710 = arith.addi %squeeze3A_704, %add3A_709 : i32
        %get3A_711 = arith.index_cast %add3A_710 : i32 to index
        %get3A_712 = tpu.vector_load %arg5[%get3A_711] {strides = array<i32>} : memref<384xf32, #tpu.memory_space<vmem>>, vector<16xf32>,
        %swap3A_713 = arith.index_cast %add3A_708 : i32 to index
        %swap3A_714 = arith.constant 0 : index
        %swap3A_715 = tpu.vector_load %arg9[%swap3A_713, %swap3A_714] {strides = array<i32>} : memref<400x128xf32, #tpu.memory_space<vmem>>, vector<16xf32>,
        tpu.vector_store %arg9[%swap3A_713, %swap3A_714], %get3A_712 {strides = array<i32>} : memref<400x128xf32, #tpu.memory_space<vmem>>, vector<16xf32>,
        %add3A_716 = arith.constant 0 : i32
        %add3A_717 = arith.addi %squeeze3A_706, %add3A_716 : i32
        %get3A_718 = arith.index_cast %add3A_717 : i32 to index
        %get3A_719 = tpu.vector_load %arg5[%get3A_718] {strides = array<i32>} : memref<384xf32, #tpu.memory_space<vmem>>, vector<16xf32>,
        %swap3A_720 = arith.index_cast %add3A_708 : i32 to index
        %swap3A_721 = arith.constant 64 : index
        %swap3A_722 = tpu.vector_load %arg9[%swap3A_720, %swap3A_721] {strides = array<i32>} : memref<400x128xf32, #tpu.memory_space<vmem>>, vector<16xf32>,
        tpu.vector_store %arg9[%swap3A_720, %swap3A_721], %get3A_719 {strides = array<i32>} : memref<400x128xf32, #tpu.memory_space<vmem>>, vector<16xf32>,
        %add3A_723 = arith.constant 16 : i32
        %add3A_724 = arith.addi %squeeze3A_704, %add3A_723 : i32
        %get3A_725 = arith.index_cast %add3A_724 : i32 to index
        %get3A_726 = tpu.vector_load %arg5[%get3A_725] {strides = array<i32>} : memref<384xf32, #tpu.memory_space<vmem>>, vector<16xf32>,
        %swap3A_727 = arith.index_cast %add3A_708 : i32 to index
        %swap3A_728 = arith.constant 16 : index
        %swap3A_729 = tpu.vector_load %arg9[%swap3A_727, %swap3A_728] {strides = array<i32>} : memref<400x128xf32, #tpu.memory_space<vmem>>, vector<16xf32>,
        tpu.vector_store %arg9[%swap3A_727, %swap3A_728], %get3A_726 {strides = array<i32>} : memref<400x128xf32, #tpu.memory_space<vmem>>, vector<16xf32>,
        %add3A_730 = arith.constant 16 : i32
        %add3A_731 = arith.addi %squeeze3A_706, %add3A_730 : i32
        %get3A_732 = arith.index_cast %add3A_731 : i32 to index
        %get3A_733 = tpu.vector_load %arg5[%get3A_732] {strides = array<i32>} : memref<384xf32, #tpu.memory_space<vmem>>, vector<16xf32>,
        %swap3A_734 = arith.index_cast %add3A_708 : i32 to index
        %swap3A_735 = arith.constant 80 : index
        %swap3A_736 = tpu.vector_load %arg9[%swap3A_734, %swap3A_735] {strides = array<i32>} : memref<400x128xf32, #tpu.memory_space<vmem>>, vector<16xf32>,
        tpu.vector_store %arg9[%swap3A_734, %swap3A_735], %get3A_733 {strides = array<i32>} : memref<400x128xf32, #tpu.memory_space<vmem>>, vector<16xf32>,
        %add3A_737 = arith.constant 32 : i32
        %add3A_738 = arith.addi %squeeze3A_704, %add3A_737 : i32
        %get3A_739 = arith.index_cast %add3A_738 : i32 to index
        %get3A_740 = tpu.vector_load %arg5[%get3A_739] {strides = array<i32>} : memref<384xf32, #tpu.memory_space<vmem>>, vector<16xf32>,
        %swap3A_741 = arith.index_cast %add3A_708 : i32 to index
        %swap3A_742 = arith.constant 32 : index
        %swap3A_743 = tpu.vector_load %arg9[%swap3A_741, %swap3A_742] {strides = array<i32>} : memref<400x128xf32, #tpu.memory_space<vmem>>, vector<16xf32>,
        tpu.vector_store %arg9[%swap3A_741, %swap3A_742], %get3A_740 {strides = array<i32>} : memref<400x128xf32, #tpu.memory_space<vmem>>, vector<16xf32>,
        %add3A_744 = arith.constant 32 : i32
        %add3A_745 = arith.addi %squeeze3A_706, %add3A_744 : i32
        %get3A_746 = arith.index_cast %add3A_745 : i32 to index
        %get3A_747 = tpu.vector_load %arg5[%get3A_746] {strides = array<i32>} : memref<384xf32, #tpu.memory_space<vmem>>, vector<16xf32>,
        %swap3A_748 = arith.index_cast %add3A_708 : i32 to index
        %swap3A_749 = arith.constant 96 : index
        %swap3A_750 = tpu.vector_load %arg9[%swap3A_748, %swap3A_749] {strides = array<i32>} : memref<400x128xf32, #tpu.memory_space<vmem>>, vector<16xf32>,
        tpu.vector_store %arg9[%swap3A_748, %swap3A_749], %get3A_747 {strides = array<i32>} : memref<400x128xf32, #tpu.memory_space<vmem>>, vector<16xf32>,
        %add3A_751 = arith.constant 48 : i32
        %add3A_752 = arith.addi %squeeze3A_704, %add3A_751 : i32
        %get3A_753 = arith.index_cast %add3A_752 : i32 to index
        %get3A_754 = tpu.vector_load %arg5[%get3A_753] {strides = array<i32>} : memref<384xf32, #tpu.memory_space<vmem>>, vector<16xf32>,
        %swap3A_755 = arith.index_cast %add3A_708 : i32 to index
        %swap3A_756 = arith.constant 48 : index
        %swap3A_757 = tpu.vector_load %arg9[%swap3A_755, %swap3A_756] {strides = array<i32>} : memref<400x128xf32, #tpu.memory_space<vmem>>, vector<16xf32>,
        tpu.vector_store %arg9[%swap3A_755, %swap3A_756], %get3A_754 {strides = array<i32>} : memref<400x128xf32, #tpu.memory_space<vmem>>, vector<16xf32>,
        %add3A_758 = arith.constant 48 : i32
        %add3A_759 = arith.addi %squeeze3A_706, %add3A_758 : i32
        %get3A_760 = arith.index_cast %add3A_759 : i32 to index
        %get3A_761 = tpu.vector_load %arg5[%get3A_760] {strides = array<i32>} : memref<384xf32, #tpu.memory_space<vmem>>, vector<16xf32>,
        %swap3A_762 = arith.index_cast %add3A_708 : i32 to index
        %swap3A_763 = arith.constant 112 : index
        %swap3A_764 = tpu.vector_load %arg9[%swap3A_762, %swap3A_763] {strides = array<i32>} : memref<400x128xf32, #tpu.memory_space<vmem>>, vector<16xf32>,
        tpu.vector_store %arg9[%swap3A_762, %swap3A_763], %get3A_761 {strides = array<i32>} : memref<400x128xf32, #tpu.memory_space<vmem>>, vector<16xf32>,
      }
      %scan3A_248 = arith.constant 50 : i32
      %add3A_249 = arith.constant 2 : i32
      %add3A_250 = arith.addi %add3A_197, %add3A_249 : i32
      %lt3A_251 = arith.constant 32 : i32
      %lt3A_252 = arith.cmpi slt, %add3A_250, %lt3A_251 : i32
      %convert_element_type3A_253 = arith.extui %lt3A_252 : i1 to i32
      %cond3A_254 = arith.constant 0 : i32
      %cond3A_255 = arith.cmpi ne, %convert_element_type3A_253, %cond3A_254 : i32
      scf.if %cond3A_255 {
        %add3A_263 = arith.constant 2 : i32
        %add3A_264 = arith.addi %add3A_197, %add3A_263 : i32
        %mul3A_265 = arith.constant 4 : i32
        %mul3A_266 = arith.muli %add3A_264, %mul3A_265 : i32
        %add3A_267 = arith.addi %mul3A_2, %mul3A_266 : i32
        %add3A_268 = arith.constant 0 : i32
        %add3A_269 = arith.addi %add3A_267, %add3A_268 : i32
        %dma_start3A_270 = arith.constant 0 : i32
        %dma_start3A_271 = tpu.memref_slice %arg7[%dma_start3A_270] : memref<800xi32, #tpu.memory_space<vmem>> -> memref<200xi32, #tpu.memory_space<vmem>>
        %dma_start3A_272 = arith.constant 0 : i32
        %dma_start3A_273 = tpu.memref_slice %arg3[%add3A_269, %dma_start3A_272] : memref<4096x200xi32, #tpu.memory_space<hbm>> -> memref<1x200xi32, #tpu.memory_space<hbm>>
        %dma_start3A_274 = tpu.memref_squeeze %dma_start3A_273 : memref<1x200xi32, #tpu.memory_space<hbm>> -> memref<200xi32, #tpu.memory_space<hbm>>
        %dma_start3A_275 = arith.constant 0 : i32
        %dma_start3A_276 = tpu.memref_slice %arg7[%dma_start3A_275] : memref<800xi32, #tpu.memory_space<vmem>> -> memref<200xi32, #tpu.memory_space<vmem>>
        %dma_start3A_277 = arith.constant 0 : i32
        %dma_start3A_278 = tpu.memref_slice %arg3[%add3A_269, %dma_start3A_277] : memref<4096x200xi32, #tpu.memory_space<hbm>> -> memref<1x200xi32, #tpu.memory_space<hbm>>
        %dma_start3A_279 = tpu.memref_squeeze %dma_start3A_278 : memref<1x200xi32, #tpu.memory_space<hbm>> -> memref<200xi32, #tpu.memory_space<hbm>>
        tpu.enqueue_dma source(%dma_start3A_279 : memref<200xi32, #tpu.memory_space<hbm>>) target(%dma_start3A_276 : memref<200xi32, #tpu.memory_space<vmem>>) target_semaphore(%arg11 : memref<!tpu.dma_semaphore, #tpu.memory_space<semaphore_mem>>)
        %mul3A_280 = arith.constant 4 : i32
        %mul3A_281 = arith.muli %add3A_264, %mul3A_280 : i32
        %add3A_282 = arith.addi %mul3A_2, %mul3A_281 : i32
        %add3A_283 = arith.constant 1 : i32
        %add3A_284 = arith.addi %add3A_282, %add3A_283 : i32
        %dma_start3A_285 = arith.constant 200 : i32
        %dma_start3A_286 = tpu.memref_slice %arg7[%dma_start3A_285] : memref<800xi32, #tpu.memory_space<vmem>> -> memref<200xi32, #tpu.memory_space<vmem>>
        %dma_start3A_287 = arith.constant 0 : i32
        %dma_start3A_288 = tpu.memref_slice %arg3[%add3A_284, %dma_start3A_287] : memref<4096x200xi32, #tpu.memory_space<hbm>> -> memref<1x200xi32, #tpu.memory_space<hbm>>
        %dma_start3A_289 = tpu.memref_squeeze %dma_start3A_288 : memref<1x200xi32, #tpu.memory_space<hbm>> -> memref<200xi32, #tpu.memory_space<hbm>>
        %dma_start3A_290 = arith.constant 200 : i32
        %dma_start3A_291 = tpu.memref_slice %arg7[%dma_start3A_290] : memref<800xi32, #tpu.memory_space<vmem>> -> memref<200xi32, #tpu.memory_space<vmem>>
        %dma_start3A_292 = arith.constant 0 : i32
        %dma_start3A_293 = tpu.memref_slice %arg3[%add3A_284, %dma_start3A_292] : memref<4096x200xi32, #tpu.memory_space<hbm>> -> memref<1x200xi32, #tpu.memory_space<hbm>>
        %dma_start3A_294 = tpu.memref_squeeze %dma_start3A_293 : memref<1x200xi32, #tpu.memory_space<hbm>> -> memref<200xi32, #tpu.memory_space<hbm>>
        tpu.enqueue_dma source(%dma_start3A_294 : memref<200xi32, #tpu.memory_space<hbm>>) target(%dma_start3A_291 : memref<200xi32, #tpu.memory_space<vmem>>) target_semaphore(%arg11 : memref<!tpu.dma_semaphore, #tpu.memory_space<semaphore_mem>>)
        %mul3A_295 = arith.constant 4 : i32
        %mul3A_296 = arith.muli %add3A_264, %mul3A_295 : i32
        %add3A_297 = arith.addi %mul3A_2, %mul3A_296 : i32
        %add3A_298 = arith.constant 2 : i32
        %add3A_299 = arith.addi %add3A_297, %add3A_298 : i32
        %dma_start3A_300 = arith.constant 400 : i32
        %dma_start3A_301 = tpu.memref_slice %arg7[%dma_start3A_300] : memref<800xi32, #tpu.memory_space<vmem>> -> memref<200xi32, #tpu.memory_space<vmem>>
        %dma_start3A_302 = arith.constant 0 : i32
        %dma_start3A_303 = tpu.memref_slice %arg3[%add3A_299, %dma_start3A_302] : memref<4096x200xi32, #tpu.memory_space<hbm>> -> memref<1x200xi32, #tpu.memory_space<hbm>>
        %dma_start3A_304 = tpu.memref_squeeze %dma_start3A_303 : memref<1x200xi32, #tpu.memory_space<hbm>> -> memref<200xi32, #tpu.memory_space<hbm>>
        %dma_start3A_305 = arith.constant 400 : i32
        %dma_start3A_306 = tpu.memref_slice %arg7[%dma_start3A_305] : memref<800xi32, #tpu.memory_space<vmem>> -> memref<200xi32, #tpu.memory_space<vmem>>
        %dma_start3A_307 = arith.constant 0 : i32
        %dma_start3A_308 = tpu.memref_slice %arg3[%add3A_299, %dma_start3A_307] : memref<4096x200xi32, #tpu.memory_space<hbm>> -> memref<1x200xi32, #tpu.memory_space<hbm>>
        %dma_start3A_309 = tpu.memref_squeeze %dma_start3A_308 : memref<1x200xi32, #tpu.memory_space<hbm>> -> memref<200xi32, #tpu.memory_space<hbm>>
        tpu.enqueue_dma source(%dma_start3A_309 : memref<200xi32, #tpu.memory_space<hbm>>) target(%dma_start3A_306 : memref<200xi32, #tpu.memory_space<vmem>>) target_semaphore(%arg11 : memref<!tpu.dma_semaphore, #tpu.memory_space<semaphore_mem>>)
        %mul3A_310 = arith.constant 4 : i32
        %mul3A_311 = arith.muli %add3A_264, %mul3A_310 : i32
        %add3A_312 = arith.addi %mul3A_2, %mul3A_311 : i32
        %add3A_313 = arith.constant 3 : i32
        %add3A_314 = arith.addi %add3A_312, %add3A_313 : i32
        %dma_start3A_315 = arith.constant 600 : i32
        %dma_start3A_316 = tpu.memref_slice %arg7[%dma_start3A_315] : memref<800xi32, #tpu.memory_space<vmem>> -> memref<200xi32, #tpu.memory_space<vmem>>
        %dma_start3A_317 = arith.constant 0 : i32
        %dma_start3A_318 = tpu.memref_slice %arg3[%add3A_314, %dma_start3A_317] : memref<4096x200xi32, #tpu.memory_space<hbm>> -> memref<1x200xi32, #tpu.memory_space<hbm>>
        %dma_start3A_319 = tpu.memref_squeeze %dma_start3A_318 : memref<1x200xi32, #tpu.memory_space<hbm>> -> memref<200xi32, #tpu.memory_space<hbm>>
        %dma_start3A_320 = arith.constant 600 : i32
        %dma_start3A_321 = tpu.memref_slice %arg7[%dma_start3A_320] : memref<800xi32, #tpu.memory_space<vmem>> -> memref<200xi32, #tpu.memory_space<vmem>>
        %dma_start3A_322 = arith.constant 0 : i32
        %dma_start3A_323 = tpu.memref_slice %arg3[%add3A_314, %dma_start3A_322] : memref<4096x200xi32, #tpu.memory_space<hbm>> -> memref<1x200xi32, #tpu.memory_space<hbm>>
        %dma_start3A_324 = tpu.memref_squeeze %dma_start3A_323 : memref<1x200xi32, #tpu.memory_space<hbm>> -> memref<200xi32, #tpu.memory_space<hbm>>
        tpu.enqueue_dma source(%dma_start3A_324 : memref<200xi32, #tpu.memory_space<hbm>>) target(%dma_start3A_321 : memref<200xi32, #tpu.memory_space<vmem>>) target_semaphore(%arg11 : memref<!tpu.dma_semaphore, #tpu.memory_space<semaphore_mem>>)
      } else {
      }
      %mul3A_256 = arith.constant 400 : i32
      %mul3A_257 = arith.muli %add3A_197, %mul3A_256 : i32
      %add3A_258 = arith.addi %mul3A_4, %mul3A_257 : i32
      %dma_start3A_259 = arith.constant 0 : i32
      %dma_start3A_260 = tpu.memref_slice %arg4[%add3A_258, %dma_start3A_259] : memref<409600x128xf32, #tpu.memory_space<hbm>> -> memref<400x128xf32, #tpu.memory_space<hbm>>
      %dma_start3A_261 = arith.constant 0 : i32
      %dma_start3A_262 = tpu.memref_slice %arg4[%add3A_258, %dma_start3A_261] : memref<409600x128xf32, #tpu.memory_space<hbm>> -> memref<400x128xf32, #tpu.memory_space<hbm>>
      tpu.enqueue_dma source(%arg9 : memref<400x128xf32, #tpu.memory_space<vmem>>) target(%dma_start3A_262 : memref<400x128xf32, #tpu.memory_space<hbm>>) target_semaphore(%arg13 : memref<!tpu.dma_semaphore, #tpu.memory_space<semaphore_mem>>)
    }
    %scan3A_120 = arith.constant 16 : i32
    %dma_wait3A = arith.constant 0 : i32
    %dma_wait3A_121 = tpu.memref_slice %arg4[%mul3A_4, %dma_wait3A] : memref<409600x128xf32, #tpu.memory_space<hbm>> -> memref<400x128xf32, #tpu.memory_space<hbm>>
    %dma_wait3A_122 = arith.constant 0 : i32
    %dma_wait3A_123 = tpu.memref_slice %arg4[%mul3A_4, %dma_wait3A_122] : memref<409600x128xf32, #tpu.memory_space<hbm>> -> memref<400x128xf32, #tpu.memory_space<hbm>>
    tpu.wait_dma2 semaphore(%arg12 : memref<!tpu.dma_semaphore, #tpu.memory_space<semaphore_mem>>) src(%arg8 : memref<400x128xf32, #tpu.memory_space<vmem>>) dst(%dma_wait3A_123 : memref<400x128xf32, #tpu.memory_space<hbm>>)
    %dma_wait3A_124 = arith.constant 0 : i32
    %dma_wait3A_125 = tpu.memref_slice %arg4[%mul3A_4, %dma_wait3A_124] : memref<409600x128xf32, #tpu.memory_space<hbm>> -> memref<400x128xf32, #tpu.memory_space<hbm>>
    %dma_wait3A_126 = arith.constant 0 : i32
    %dma_wait3A_127 = tpu.memref_slice %arg4[%mul3A_4, %dma_wait3A_126] : memref<409600x128xf32, #tpu.memory_space<hbm>> -> memref<400x128xf32, #tpu.memory_space<hbm>>
    tpu.wait_dma2 semaphore(%arg13 : memref<!tpu.dma_semaphore, #tpu.memory_space<semaphore_mem>>) src(%arg9 : memref<400x128xf32, #tpu.memory_space<vmem>>) dst(%dma_wait3A_127 : memref<400x128xf32, #tpu.memory_space<hbm>>)
    return
  }
}

module attributes {stable_mosaic.version = 14 : i64} {
  func.func @_table_body(%arg0: memref<6x64xf32, #tpu.memory_space<vmem>>, %arg1: memref<64x64xf32, #tpu.memory_space<vmem>>, %arg2: memref<1x64xf32, #tpu.memory_space<vmem>>, %arg3: memref<64x64xf32, #tpu.memory_space<vmem>>, %arg4: memref<1x64xf32, #tpu.memory_space<vmem>>, %arg5: memref<6x64xf32, #tpu.memory_space<vmem>>) attributes {dimension_semantics = [], scalar_prefetch = 0 : i64, scratch_operands = 0 : i64, tpu.core_type = #tpu.core_type<tc>} {
    %get3A = arith.constant 0 : index
    %get3A_0 = arith.constant 0 : index
    %get3A_1 = vector.load %arg0[%get3A, %get3A_0] : memref<6x64xf32, #tpu.memory_space<vmem>>, vector<6x64xf32>
    %get3A_2 = arith.constant 0 : index
    %get3A_3 = arith.constant 0 : index
    %get3A_4 = vector.load %arg1[%get3A_2, %get3A_3] : memref<64x64xf32, #tpu.memory_space<vmem>>, vector<64x64xf32>
    %dot_general3A = arith.constant dense<0.000000e+00> : vector<6x64xf32>
    %dot_general3A_5 = tpu.matmul %get3A_1, %get3A_4, %dot_general3A {dimension_numbers = #tpu.dot_dimension_numbers<[1], [0], [0], [1], [0, 0, 1, 1], [], []>, transpose_lhs_hint = false} : vector<6x64xf32>, vector<64x64xf32>, vector<6x64xf32> -> vector<6x64xf32>
    %get3A_6 = arith.constant 0 : index
    %get3A_7 = arith.constant 0 : index
    %get3A_8 = vector.load %arg2[%get3A_6, %get3A_7] : memref<1x64xf32, #tpu.memory_space<vmem>>, vector<1x64xf32>
    %add3A = vector.broadcast %get3A_8 : vector<1x64xf32> to vector<6x64xf32>
    %add3A_9 = arith.addf %dot_general3A_5, %add3A : vector<6x64xf32>
    %logistic3A = arith.negf %add3A_9 : vector<6x64xf32>
    %logistic3A_10 = math.exp %logistic3A : vector<6x64xf32>
    %logistic3A_11 = arith.constant 1.000000e+00 : f32
    %logistic3A_12 = vector.broadcast %logistic3A_11 : f32 to vector<6x64xf32>
    %logistic3A_13 = arith.addf %logistic3A_12, %logistic3A_10 : vector<6x64xf32>
    %logistic3A_14 = arith.divf %logistic3A_12, %logistic3A_13 : vector<6x64xf32>
    %mul3A = arith.mulf %add3A_9, %logistic3A_14 : vector<6x64xf32>
    %get3A_15 = arith.constant 0 : index
    %get3A_16 = arith.constant 0 : index
    %get3A_17 = vector.load %arg3[%get3A_15, %get3A_16] : memref<64x64xf32, #tpu.memory_space<vmem>>, vector<64x64xf32>
    %dot_general3A_18 = arith.constant dense<0.000000e+00> : vector<6x64xf32>
    %dot_general3A_19 = tpu.matmul %mul3A, %get3A_17, %dot_general3A_18 {dimension_numbers = #tpu.dot_dimension_numbers<[1], [0], [0], [1], [0, 0, 1, 1], [], []>, transpose_lhs_hint = false} : vector<6x64xf32>, vector<64x64xf32>, vector<6x64xf32> -> vector<6x64xf32>
    %get3A_20 = arith.constant 0 : index
    %get3A_21 = arith.constant 0 : index
    %get3A_22 = vector.load %arg4[%get3A_20, %get3A_21] : memref<1x64xf32, #tpu.memory_space<vmem>>, vector<1x64xf32>
    %add3A_23 = vector.broadcast %get3A_22 : vector<1x64xf32> to vector<6x64xf32>
    %add3A_24 = arith.addf %dot_general3A_19, %add3A_23 : vector<6x64xf32>
    %swap3A = arith.constant 0 : index
    %swap3A_25 = arith.constant 0 : index
    %swap3A_26 = vector.load %arg5[%swap3A, %swap3A_25] : memref<6x64xf32, #tpu.memory_space<vmem>>, vector<6x64xf32>
    tpu.vector_store %arg5[%swap3A, %swap3A_25], %add3A_24 {strides = array<i32>} : memref<6x64xf32, #tpu.memory_space<vmem>>, vector<6x64xf32>,
    return
  }
}

</mosaic_0001>

<sc_bundles>
// kernel: kernel.4.cloned.1.call-start
scs
__scs_entry_jumppad:
0x0: {  	(pc) =	sbr.rel $0x88, $3  }
0x1: {  	(tag) =	ssettag $0x0;
	lr =	simm.s32 $0x1  }
0x2: {  	[smem:$0x3F9B] =	sst lr;
	_ =	strace $0xD0000000  }
0x3: {  	_ = 	snop  }
0x4: {  	_ = 	snop  }
0x5: {  	_ = 	snop  }
0x6: {  	_ = 	snop  }
0x7: {  	_ = 	snop  }
__scs_overlays_trampoline_lowered:
0x8: {  	[smem:$0x3FAA] =	sst s0  }
0x9: {  	[smem:$0x3FAB] =	sst s1  }
0xa: {  	[smem:$0x3FAC] =	sst s2  }
0xb: {  	[smem:$0x3FAD] =	sst s3  }
0xc: {  	[smem:$0x3FAE] =	sst s4  }
0xd: {  	[smem:$0x3FAF] =	sst s5  }
0xe: {  	[smem:$0x3FB0] =	sst s6  }
0xf: {  	[smem:$0x3FB1] =	sst s7  }
0x10: {  	[smem:$0x3FB2] =	sst s8  }
0x11: {  	[smem:$0x3FB3] =	sst s9;
	s0 =	simm.s32 @!p0 $0x0  }
0x12: {  	s1 =	sld [smem:$0x3F99];
	s0 =	simm.s32 @p0 $0x1  }
0x13: {  	[smem:$0x3FB4] =	sst s0;
	s0 =	simm.s32 @!p1 $0x0  }
0x14: {  	s2 =	sld [smem:$0x3F98];
	s0 =	simm.s32 @p1 $0x1  }
0x15: {  	[smem:$0x3FB5] =	sst s0;
	s0 =	simm.s32 @!p2 $0x0  }
0x16: {  	s3 =	sld [smem:$0x3FDB];
	s0 =	simm.s32 @p2 $0x1  }
0x17: {  	s4 =	simm.s32 $0x1BF5;
	[smem:$0x3FB7] =	sst s0  }
0x18: {  	s0 =	sld [smem:$0x3F9A];
	_ =	swait.ge [sflag:s4], $0x0  }
0x19: {  	s7 =	sld [smem:$0x3F9B]  }
0x1a: {  	s8 =	sadd.s32 $0xFFFFE003, lr  }
0x1b: {  	s9 =	sadd.s32 $0xFFFFFEF7, lr;
	s5 =	simm.s32 $0xFFFFFFFF;
	p2 =	slt.u32 s8, $0xFFFFF086  }
0x1c: {  	p1 =	slt.u32 s9, $0xF7A;
	s5 =	simm.s32 @!p2 $0x0  }
0x1d: {  	s5 =	simm.s32 @p1 $0x1;
	p0 =	seq.s32 s7, s2  }
0x1e: {  	s7 =	smul.u32 @!p0 $0xF7A, s2;
	p2 =	seq.s32 @!p0 s5, $0x0  }
0x1f: {  	s9 =	smul.u32 $0xF7A, s1;
	s8 =	simm.s32 @!p0 $0x1BF5;
	p2 =	por !p2, p0  }
0x20: {  	[sflag:s8] =	ssyncset.s32 @!p0 $0xFFFFF086;
	s6 =	sadd.s32 @!p0 s3, s7;
	s7 =	simm.s32 @!p0 $0x108  }
0x21: {  	s3 =	sadd.s32 s3, s9;
	s6 =	sadd.s32 @!p0 $0x88, s6;
	s7 =	simm.s32 @p2 $0x1082  }
0x22: {  	[simem:s7], [sflag:s8] =	dma.local @!p0 [hbm:s6], $0xF7A  }
0x23: {  	s9 =	sor.u32 $0xD0000000, s2;
	s6 =	simm.s32 $0x108;
	_ =	swait.ge @!p0 [sflag:s8], $0x0  }
0x24: {  	s3 =	sadd.s32 $0x88, s3;
	s6 =	simm.s32 @!p1 $0x1082;
	[sflag:s4] =	ssyncset.s32 $0xFFFFF086  }
0x25: {  	[simem:s6], [sflag:s4] =	dma.local [hbm:s3], $0xF7A  }
0x26: {  	[smem:$0x3F9B] =	sst s1;
	(tag) =	ssettag s2;
	_ =	strace s9  }
0x27: {  	s1 =	sld [smem:$0x3FAB]  }
0x28: {  	s2 =	sld [smem:$0x3FAC]  }
0x29: {  	s4 =	sld [smem:$0x3FAE]  }
0x2a: {  	p0 =	seq.s32 s5, $0x0;
	s5 =	sld [smem:$0x3FAF]  }
0x2b: {  	s6 =	sld [smem:$0x3FB0]  }
0x2c: {  	s7 =	sld [smem:$0x3FB1]  }
0x2d: {  	s3 =	simm.s32 $0x108;
	s8 =	sld [smem:$0x3FB2]  }
0x2e: {  	s3 =	simm.s32 @!p0 $0x1082;
	s9 =	sld [smem:$0x3FB3]  }
0x2f: {  	lr =	sadd.s32 s0, s3;
	s0 =	sld [smem:$0x3FAA]  }
0x30: {  	s3 =	sld [smem:$0x3FAD]  }
0x31: {  	[smem:$0x3FB6] =	sst s10  }
0x32: {  	s10 =	sld [smem:$0x3FB4];
	_ =	sdelay $0x3  }
0x33: {  	p0 =	seq.s32 s10, $0x1;
	s10 =	sld [smem:$0x3FB6];
	_ =	sdelay $0x3  }
0x34: {  	[smem:$0x3FB6] =	sst s10  }
0x35: {  	s10 =	sld [smem:$0x3FB5];
	_ =	sdelay $0x3  }
0x36: {  	p1 =	seq.s32 s10, $0x1;
	s10 =	sld [smem:$0x3FB6];
	_ =	sdelay $0x3  }
0x37: {  	[smem:$0x3FB6] =	sst s10  }
0x38: {  	s10 =	sld [smem:$0x3FB7]  }
0x39: {  	_ = 	snop;
	(pc) =	sbr.ind lr, $3  }
0x3a: {  	_ = 	snop  }
0x3b: {  	_ = 	snop  }
0x3c: {  	p2 =	seq.s32 s10, $0x1;
	s10 =	sld [smem:$0x3FB6]  }
0x3d: {  	_ =	shalt  }
0x3e: {  	_ =	shalt  }
0x3f: {  	_ =	shalt  }
0x40: {  	_ =	shalt  }
0x41: {  	_ =	shalt  }
0x42: {  	_ =	shalt  }
0x43: {  	_ =	shalt  }
0x44: {  	_ =	shalt  }
0x45: {  	_ =	shalt  }
0x46: {  	_ =	shalt  }
0x47: {  	_ =	shalt  }
0x48: {  	_ =	shalt  }
0x49: {  	_ =	shalt  }
0x4a: {  	_ =	shalt  }
0x4b: {  	_ =	shalt  }
0x4c: {  	_ =	shalt  }
0x4d: {  	_ =	shalt  }
0x4e: {  	_ =	shalt  }
0x4f: {  	_ =	shalt  }
0x50: {  	_ =	shalt  }
0x51: {  	_ =	shalt  }
0x52: {  	_ =	shalt  }
0x53: {  	_ =	shalt  }
0x54: {  	_ =	shalt  }
0x55: {  	_ =	shalt  }
0x56: {  	_ =	shalt  }
0x57: {  	_ =	shalt  }
0x58: {  	_ =	shalt  }
0x59: {  	_ =	shalt  }
0x5a: {  	_ =	shalt  }
0x5b: {  	_ =	shalt  }
0x5c: {  	_ =	shalt  }
0x5d: {  	_ =	shalt  }
0x5e: {  	_ =	shalt  }
0x5f: {  	_ =	shalt  }
0x60: {  	_ =	shalt  }
0x61: {  	_ =	shalt  }
0x62: {  	_ =	shalt  }
0x63: {  	_ =	shalt  }
0x64: {  	_ =	shalt  }
0x65: {  	_ =	shalt  }
0x66: {  	_ =	shalt  }
0x67: {  	_ =	shalt  }
0x68: {  	_ =	shalt  }
0x69: {  	_ =	shalt  }
0x6a: {  	_ =	shalt  }
0x6b: {  	_ =	shalt  }
0x6c: {  	_ =	shalt  }
0x6d: {  	_ =	shalt  }
0x6e: {  	_ =	shalt  }
0x6f: {  	_ =	shalt  }
0x70: {  	_ =	shalt  }
0x71: {  	_ =	shalt  }
0x72: {  	_ =	shalt  }
0x73: {  	_ =	shalt  }
0x74: {  	_ =	shalt  }
0x75: {  	_ =	shalt  }
0x76: {  	_ =	shalt  }
0x77: {  	_ =	shalt  }
0x78: {  	_ =	shalt  }
0x79: {  	_ =	shalt  }
0x7a: {  	_ =	shalt  }
0x7b: {  	_ =	shalt  }
0x7c: {  	_ =	shalt  }
0x7d: {  	_ =	shalt  }
0x7e: {  	_ =	shalt  }
0x7f: {  	_ =	shalt  }
0x80: {  	_ =	shalt  }
0x81: {  	_ =	shalt  }
0x82: {  	_ =	shalt  }
0x83: {  	_ =	shalt  }
0x84: {  	_ =	shalt  }
0x85: {  	_ =	shalt  }
0x86: {  	_ =	shalt  }
0x87: {  	_ =	shalt  }
.Lfunc_end0:
.L_simem_size_0:
called_computation.1_lowered:
.L_overlay_start_0:
0x88: {  	s2 =	sld [smem:$0x3FD9]  }
0x89: {  	s3 =	sld [smem:$0x3FFE];
	_ =	sdelay $0x1  }
0x8a: {  	s1 =	srdreg.scid  }
0x8b: {  	s0 =	sand.u32 $0x1, s1  }
0x8c: {  	s17 =	sshll.u32 s0, $0xA;
	s2 =	sadd.s32 s3, s2  }
0x8d: {  	s2 =	sadd.s32 s2, s17  }
0x8e: {  	[smem:$0x3FC2] =	sst s2  }
0x8f: {  	_ = 	snop  }
0x90: {  	s2 =	sld [smem:$0x3FD0];
	(tm) =	ssettm $0x1  }
0x91: {  	s18 =	sld [smem:$0x3FFB];
	_ =	sdelay $0x3  }
0x92: {  	_ =	strace s18  }
0x93: {  	s3 =	sld [smem:$0x3FFC];
	_ =	sdelay $0x3  }
0x94: {  	_ =	strace s3  }
0x95: {  	s3 =	sld [smem:$0x3FFD];
	_ =	sdelay $0x3  }
0x96: {  	_ =	strace s3  }
0x97: {  	_ =	strace $0x8FFFFFFF  }
0x98: {  	s19 =	sld [smem:$0x3FDB];
	_ =	sdelay $0x1  }
0x99: {  	s4 =	simm.s32 $_scs_section_size  }
0x9a: {  	s5 =	simm.s32 $_size__tile_overlayer_lowered;
	s6 =	simm.s32 $_tile_overlayer_lowered  }
0x9b: {  	s22 =	simm.s32 $0x1BFF;
	s21 =	sshll.u32 s6, $0x1;
	s3 =	sadd.s32 s4, s19  }
0x9c: {  	s7 =	simm.s32 $0x0;
	s20 =	sshll.u32 s5, $0x1;
	s5 =	sadd.s32 s21, s3  }
0x9d: {  	[timem:s7], [sflag:s22] =	dma.local [hbm:s5], s20  }
0x9e: {  	_ =	swait.ge [sflag:s22], s20  }
0x9f: {  	s4 =	ssub.s32 $0x0, s20;
	[sflag:s22] =	ssyncset.done $0x0  }
0xa0: {  	[sflag:s22] =	ssyncadd.s32 s4;
	_ =	sdelay $0x1  }
0xa1: {  	s23 =	simm.s32 $0x1B8B  }
0xa2: {  	_ =	swait.ge [sflag:s23], $0x1  }
0xa3: {  	[sflag:s23] =	ssyncset.done $0x0  }
0xa4: {  	s25 =	simm.s32 $0x1B8E;
	s24 =	sld [smem:$0x3FFE];
	[sflag:s23] =	ssyncadd.s32 $0xFFFFFFFF  }
0xa5: {  	s26 =	simm.s32 $execute0_lowered;
	[smem:$0x3FD2] =	sst s25  }
0xa6: {  	s5 =	sshll.u32 s26, $0x1;
	_ =	strace $0x80000046;
	[dreg:$0x1] =	wrdreg $0xFFFFFFFF  }
0xa7: {  	s28 =	simm.s32 $_size_execute0_lowered;
	s3 =	sadd.s32 s3, s5;
	[dreg:$0x0] =	wrdreg $0x0  }
0xa8: {  	s5 =	sshll.u32 s28, $0x1;
	[dreg:$0x2] =	wrdreg s3  }
0xa9: {  	[dreg:$0x3] =	wrdreg s5  }
0xaa: {  	[dreg:$0x4] =	wrdreg $0xC0  }
0xab: {  	_ =	task [dreg:s7], $0x5FFFF  }
0xac: {  	[dreg:$0x1] =	wrdreg $0xFFFFFFFF  }
0xad: {  	[dreg:$0x0] =	wrdreg $0x60  }
0xae: {  	[dreg:$0x2] =	wrdreg s24  }
0xaf: {  	[dreg:$0x3] =	wrdreg s2  }
0xb0: {  	[dreg:$0x4] =	wrdreg $0x9  }
0xb1: {  	_ =	task.clear_ibuf [dreg:s7], $0x5FFFF;
	_ =	strace $0x90000046  }
0xb2: {  	s29 =	simm.s32 $0x9;
	_ =	strace $0x80000048  }
0xb3: {  	_ =	swait.ge [sflag:s29], $0x1  }
0xb4: {  	[sflag:s29] =	ssyncadd.s32 $0xFFFFFFFF  }
0xb5: {  	_ =	strace $0x90000048  }
0xb6: {  	_ =	sfence  }
0xb7: {  	s30 =	sld [smem:$0x0];
	_ =	sdelay $0x2  }
0xb8: {  	s31 =	sshll.u32 s1, $0xD;
	s1 =	sshrl.u32 s1, $0x2  }
0xb9: {  	s3 =	sand.u32 $0x4000, s31;
	s1 =	sadd.s32 s1, s30  }
0xba: {  	s0 =	sor.u32 s3, s0;
	s1 =	sshll.u32 s1, $0x11  }
0xbb: {  	s0 =	sor.u32 s1, s0  }
0xbc: {  	s0 =	sadd.s32 $0x8F2B, s0  }
0xbd: {  	[sflag:s0] =	ssyncadd.remote.s32 $0x1  }
0xbe: {  	_ =	sfence.sel $0xFFFF  }
0xbf: {  	[dreg:$0x0] =	wrdreg $0xFFFFFFFF;
	(pc) =	sbr.abs _section_cstart, $3  }
0xc0: {  	[dreg:$0x1] =	wrdreg $0xFFFFFFFF  }
0xc1: {  	_ =	task.clear_ibuf [dreg:s7], $0x2FFFF;
	_ =	strace $0x9FFFFFFF  }
0xc2: {  	(tm) =	ssettm $0x7FFFFFFF  }
0xc3: {  	_ =	shalt  }
tec
execute0_lowered:
.L_overlay_start_1:
0x0: {  	(tag) =	ssettag $0x1  }
0x1: {  	s0 =	rddreg [dreg:$0x0]  }
0x2: {  	s2 =	rddreg [dreg:$0x1]  }
0x3: {  	s1 =	srdreg.scid;
	s4 =	stileid.u32;
	s3 =	simm.s32 $0x0  }
0x4: {  	s19 =	simm.s32 $0x5;
	s29 =	simm.s32 $0x1;
	s30 =	simm.s32 $0x7C0  }
0x5: {  	s31 =	simm.s32 $0x2;
	s20 =	simm.s32 $0x4;
	s21 =	simm.s32 $0x0  }
0x6: {  	s1 =	sand.u32 $0x1, s1;
	s4 =	sshll.u32 s4, $0x1;
	[smem:$0x7FF] =	sst s3  }
0x7: {  	s25 =	sadd.s32 $0x1200, s0;
	s5 =	sadd.s32 $0x1400, s0;
	s7 =	sor.u32 s1, s4  }
0x8: {  	_ =	strace $0x80000047;
	s1 =	ssub.s32 $0x2, s1;
	s6 =	smul.u32 $0xC80, s7  }
0x9: {  	[dreg:$0x3] =	wrdreg s25;
	s26 =	sshrl.u32 s1, $0x1;
	s28 =	smul.u32 $0x6400, s7  }
0xa: {  	s16 =	sshll.u32 s7, $0x7;
	s7 =	smul.u32 $0x3200, s7;
	s0 =	ssub.s32 s1, s26  }
0xb: {  	s15 =	sor.u32 $0x8, s16;
	s16 =	sor.u32 $0xC, s16;
	s6 =	sadd.s32 s5, s6  }
0xc: {  	s12 =	sshrl.u32 s28, $0x3;
	s1 =	sadd.s32 $0x578, s28;
	s17 =	sor.u32 $0x190, s7  }
0xd: {  	s18 =	smax.u32 s0, $0x1;
	s0 =	simm.s32 $0xCFC0;
	s8 =	sadd.s32 $0x19, s6  }
0xe: {  	s9 =	sadd.s32 $0x32, s6;
	s10 =	sadd.s32 $0x4B, s6;
	s11 =	sadd.s32 $0x64, s6  }
0xf: {  	s13 =	sadd.s32 s5, s12;
	s12 =	sadd.s32 $0x7D, s6;
	s1 =	sshrl.u32 s1, $0x3  }
0x10: {  	s13 =	sadd.s32 $0x96, s13;
	s14 =	sadd.s32 s5, s1;
	s1 =	simm.s32 $0x3  }
.LBB2_1:
0x11: {  	s4 =	rddreg [dreg:$0x3]  }
0x12: {  	[tilespmem:s3], [sflag:$0x5] =	stream.linear.gather [hbm4b:s4+s3], $0x180, $0x38;
	[tilespmem:$0x197C0] =	vst v63  }
0x13: {  	_ =	swait.ge [sflag:s19], $0x180  }
0x14: {  	[sflag:s19] =	ssyncset.done $0x0  }
0x15: {  	s26 =	simm.s32 $0x180;
	[sflag:s19] =	ssyncadd.s32 $0xFFFFFE80  }
0x16: {  	[tilespmem:s26], [sflag:$0x1] =	stream.linear.gather [hbm4b:s6+s3], $0xC8, $0x38;
	[tilespmem:$0x197C0] =	vst v63  }
0x17: {  	s28 =	simm.s32 $0x248  }
0x18: {  	[tilespmem:s28], [sflag:$0x1] =	stream.linear.gather [hbm4b:s8+s3], $0xC8, $0x38;
	[tilespmem:$0x197C0] =	vst v63  }
0x19: {  	s22 =	simm.s32 $0x310  }
0x1a: {  	[tilespmem:s22], [sflag:$0x1] =	stream.linear.gather [hbm4b:s9+s3], $0xC8, $0x38;
	[tilespmem:$0x197C0] =	vst v63  }
0x1b: {  	s23 =	simm.s32 $0x3D8  }
0x1c: {  	[tilespmem:s23], [sflag:$0x1] =	stream.linear.gather [hbm4b:s10+s3], $0xC8, $0x38;
	[tilespmem:$0x197C0] =	vst v63  }
0x1d: {  	s24 =	simm.s32 $0x4A0  }
0x1e: {  	[tilespmem:s24], [sflag:$0x2] =	stream.linear.gather [hbm4b:s11+s3], $0xC8, $0x38;
	[tilespmem:$0x197C0] =	vst v63  }
0x1f: {  	s25 =	simm.s32 $0x568  }
0x20: {  	[tilespmem:s25], [sflag:$0x2] =	stream.linear.gather [hbm4b:s12+s3], $0xC8, $0x38;
	[tilespmem:$0x197C0] =	vst v63  }
0x21: {  	s26 =	simm.s32 $0x630  }
0x22: {  	[tilespmem:s26], [sflag:$0x2] =	stream.linear.gather [hbm4b:s13+s3], $0xC8, $0x38;
	[tilespmem:$0x197C0] =	vst v63  }
0x23: {  	s28 =	simm.s32 $0x6F8;
	s22 =	simm.s32 $0x0  }
0x24: {  	[tilespmem:s28], [sflag:$0x2] =	stream.linear.gather [hbm4b:s14+s3], $0xC8, $0x38;
	[tilespmem:$0x197C0] =	vst v63  }
.LBB2_2:
0x25: {  	_ =	swait.ge [sflag:s29], $0xC8  }
0x26: {  	[sflag:s29] =	ssyncset.done $0x0  }
0x27: {  	[sflag:s29] =	ssyncadd.s32 $0xFFFFFF38  }
0x28: {  	_ =	swait.ge [sflag:s29], $0xC8  }
0x29: {  	[sflag:s29] =	ssyncset.done $0x0  }
0x2a: {  	[sflag:s29] =	ssyncadd.s32 $0xFFFFFF38  }
0x2b: {  	_ =	swait.ge [sflag:s29], $0xC8  }
0x2c: {  	[sflag:s29] =	ssyncset.done $0x0  }
0x2d: {  	[sflag:s29] =	ssyncadd.s32 $0xFFFFFF38  }
0x2e: {  	_ =	swait.ge [sflag:s29], $0xC8  }
0x2f: {  	p1 =	seq.s32 s22, $0x0;
	[sflag:s29] =	ssyncset.done $0x0  }
0x30: {  	s24 =	simm.s32 @!p1 $0x3;
	[sflag:s29] =	ssyncadd.s32 $0xFFFFFF38  }
0x31: {  	_ =	swait.ge @!p1 [sflag:s24], $0xC800  }
0x32: {  	s23 =	sshll.u32 s22, $0x3;
	[sflag:s24] =	ssyncset.done @!p1 $0x0  }
0x33: {  	s25 =	simm.s32 $0x9C0;
	[sflag:s24] =	ssyncadd.s32 @!p1 $0xFFFF3800;
	s24 =	simm.s32 $0x0  }
.LBB2_3:
0x34: {  	s26 =	sshra.s32 s24, $0x2  }
0x35: {  	v0 =	vld [tilespmem:s26+$0x180];
	_ =	sdelay $0x4  }
0x36: {  	v0 =	vshll.u32 v0, $0x6  }
0x37: {  	(v2sf) =	vpush v0, $0x0;
	_ =	sdelay $0x5  }
0x38: {  	(v2sf) =	vpush v0, $0x1;
	_ =	sdelay $0x8  }
0x39: {  	s4 =	spop (v2sf)  }
0x3a: {  	v1 =	vld [tilespmem:s4+$0x0];
	_ =	sdelay $0x4  }
0x3b: {  	s28 =	spop (v2sf);
	[tilespmem:s25+$0xFFFFFE00] =	vst v1  }
0x3c: {  	v1 =	vld [tilespmem:s28+$0x0];
	_ =	sdelay $0x4  }
0x3d: {  	[tilespmem:s25+$0xFFFFFE40] =	vst v1  }
0x3e: {  	v1 =	vld [tilespmem:s4+$0x10];
	_ =	sdelay $0x4  }
0x3f: {  	[tilespmem:s25+$0xFFFFFE10] =	vst v1  }
0x40: {  	v1 =	vld [tilespmem:s28+$0x10];
	_ =	sdelay $0x4  }
0x41: {  	[tilespmem:s25+$0xFFFFFE50] =	vst v1  }
0x42: {  	v1 =	vld [tilespmem:s4+$0x20];
	_ =	sdelay $0x4  }
0x43: {  	[tilespmem:s25+$0xFFFFFE20] =	vst v1  }
0x44: {  	v1 =	vld [tilespmem:s28+$0x20];
	_ =	sdelay $0x1  }
0x45: {  	(v2sf) =	vpush v0, $0x2;
	_ =	sdelay $0x2  }
0x46: {  	[tilespmem:s25+$0xFFFFFE60] =	vst v1  }
0x47: {  	v1 =	vld [tilespmem:s4+$0x30];
	_ =	sdelay $0x1  }
0x48: {  	(v2sf) =	vpush v0, $0x3;
	_ =	sdelay $0x2  }
0x49: {  	[tilespmem:s25+$0xFFFFFE30] =	vst v1  }
0x4a: {  	v1 =	vld [tilespmem:s28+$0x30];
	_ =	sdelay $0x4  }
0x4b: {  	s26 =	spop (v2sf);
	[tilespmem:s25+$0xFFFFFE70] =	vst v1  }
0x4c: {  	v1 =	vld [tilespmem:s26+$0x0];
	_ =	sdelay $0x4  }
0x4d: {  	s4 =	spop (v2sf);
	[tilespmem:s25+$0xFFFFFE80] =	vst v1  }
0x4e: {  	v1 =	vld [tilespmem:s4+$0x0];
	_ =	sdelay $0x4  }
0x4f: {  	[tilespmem:s25+$0xFFFFFEC0] =	vst v1  }
0x50: {  	v1 =	vld [tilespmem:s26+$0x10];
	_ =	sdelay $0x4  }
0x51: {  	[tilespmem:s25+$0xFFFFFE90] =	vst v1  }
0x52: {  	v1 =	vld [tilespmem:s4+$0x10];
	_ =	sdelay $0x4  }
0x53: {  	[tilespmem:s25+$0xFFFFFED0] =	vst v1  }
0x54: {  	v1 =	vld [tilespmem:s26+$0x20];
	_ =	sdelay $0x4  }
0x55: {  	[tilespmem:s25+$0xFFFFFEA0] =	vst v1  }
0x56: {  	v1 =	vld [tilespmem:s4+$0x20];
	_ =	sdelay $0x1  }
0x57: {  	(v2sf) =	vpush v0, $0x4;
	_ =	sdelay $0x2  }
0x58: {  	[tilespmem:s25+$0xFFFFFEE0] =	vst v1  }
0x59: {  	v1 =	vld [tilespmem:s26+$0x30];
	_ =	sdelay $0x1  }
0x5a: {  	(v2sf) =	vpush v0, $0x5;
	_ =	sdelay $0x2  }
0x5b: {  	[tilespmem:s25+$0xFFFFFEB0] =	vst v1  }
0x5c: {  	v1 =	vld [tilespmem:s4+$0x30];
	_ =	sdelay $0x4  }
0x5d: {  	s26 =	spop (v2sf);
	[tilespmem:s25+$0xFFFFFEF0] =	vst v1  }
0x5e: {  	v1 =	vld [tilespmem:s26+$0x0];
	_ =	sdelay $0x4  }
0x5f: {  	s4 =	spop (v2sf);
	[tilespmem:s25+$0xFFFFFF00] =	vst v1  }
0x60: {  	v1 =	vld [tilespmem:s4+$0x0];
	_ =	sdelay $0x4  }
0x61: {  	[tilespmem:s25+$0xFFFFFF40] =	vst v1  }
0x62: {  	v1 =	vld [tilespmem:s26+$0x10];
	_ =	sdelay $0x4  }
0x63: {  	[tilespmem:s25+$0xFFFFFF10] =	vst v1  }
0x64: {  	v1 =	vld [tilespmem:s4+$0x10];
	_ =	sdelay $0x4  }
0x65: {  	[tilespmem:s25+$0xFFFFFF50] =	vst v1  }
0x66: {  	v1 =	vld [tilespmem:s26+$0x20];
	_ =	sdelay $0x4  }
0x67: {  	[tilespmem:s25+$0xFFFFFF20] =	vst v1  }
0x68: {  	v1 =	vld [tilespmem:s4+$0x20];
	_ =	sdelay $0x1  }
0x69: {  	(v2sf) =	vpush v0, $0x6;
	_ =	sdelay $0x2  }
0x6a: {  	[tilespmem:s25+$0xFFFFFF60] =	vst v1  }
0x6b: {  	v1 =	vld [tilespmem:s26+$0x30];
	_ =	sdelay $0x1  }
0x6c: {  	(v2sf) =	vpush v0, $0x7;
	_ =	sdelay $0x2  }
0x6d: {  	[tilespmem:s25+$0xFFFFFF30] =	vst v1  }
0x6e: {  	v1 =	vld [tilespmem:s4+$0x30];
	_ =	sdelay $0x4  }
0x6f: {  	s26 =	spop (v2sf);
	[tilespmem:s25+$0xFFFFFF70] =	vst v1  }
0x70: {  	v1 =	vld [tilespmem:s26+$0x0];
	_ =	sdelay $0x4  }
0x71: {  	s4 =	spop (v2sf);
	[tilespmem:s25+$0xFFFFFF80] =	vst v1  }
0x72: {  	v1 =	vld [tilespmem:s4+$0x0];
	_ =	sdelay $0x4  }
0x73: {  	[tilespmem:s25+$0xFFFFFFC0] =	vst v1  }
0x74: {  	v1 =	vld [tilespmem:s26+$0x10];
	_ =	sdelay $0x4  }
0x75: {  	[tilespmem:s25+$0xFFFFFF90] =	vst v1  }
0x76: {  	v1 =	vld [tilespmem:s4+$0x10];
	_ =	sdelay $0x4  }
0x77: {  	[tilespmem:s25+$0xFFFFFFD0] =	vst v1  }
0x78: {  	v1 =	vld [tilespmem:s26+$0x20];
	_ =	sdelay $0x4  }
0x79: {  	[tilespmem:s25+$0xFFFFFFA0] =	vst v1  }
0x7a: {  	v1 =	vld [tilespmem:s4+$0x20];
	_ =	sdelay $0x1  }
0x7b: {  	(v2sf) =	vpush v0, $0x8;
	_ =	sdelay $0x2  }
0x7c: {  	[tilespmem:s25+$0xFFFFFFE0] =	vst v1  }
0x7d: {  	v1 =	vld [tilespmem:s26+$0x30];
	_ =	sdelay $0x1  }
0x7e: {  	(v2sf) =	vpush v0, $0x9;
	_ =	sdelay $0x2  }
0x7f: {  	[tilespmem:s25+$0xFFFFFFB0] =	vst v1  }
0x80: {  	v1 =	vld [tilespmem:s4+$0x30];
	_ =	sdelay $0x4  }
0x81: {  	s26 =	spop (v2sf);
	[tilespmem:s25+$0xFFFFFFF0] =	vst v1  }
0x82: {  	v1 =	vld [tilespmem:s26+$0x0];
	_ =	sdelay $0x4  }
0x83: {  	s4 =	spop (v2sf);
	[tilespmem:s25+$0x0] =	vst v1  }
0x84: {  	v1 =	vld [tilespmem:s4+$0x0];
	_ =	sdelay $0x4  }
0x85: {  	[tilespmem:s25+$0x40] =	vst v1  }
0x86: {  	v1 =	vld [tilespmem:s26+$0x10];
	_ =	sdelay $0x4  }
0x87: {  	[tilespmem:s25+$0x10] =	vst v1  }
0x88: {  	v1 =	vld [tilespmem:s4+$0x10];
	_ =	sdelay $0x4  }
0x89: {  	[tilespmem:s25+$0x50] =	vst v1  }
0x8a: {  	v1 =	vld [tilespmem:s26+$0x20];
	_ =	sdelay $0x4  }
0x8b: {  	[tilespmem:s25+$0x20] =	vst v1  }
0x8c: {  	v1 =	vld [tilespmem:s4+$0x20];
	_ =	sdelay $0x1  }
0x8d: {  	(v2sf) =	vpush v0, $0xA;
	_ =	sdelay $0x2  }
0x8e: {  	[tilespmem:s25+$0x60] =	vst v1  }
0x8f: {  	v1 =	vld [tilespmem:s26+$0x30];
	_ =	sdelay $0x1  }
0x90: {  	(v2sf) =	vpush v0, $0xB;
	_ =	sdelay $0x2  }
0x91: {  	[tilespmem:s25+$0x30] =	vst v1  }
0x92: {  	v1 =	vld [tilespmem:s4+$0x30];
	_ =	sdelay $0x4  }
0x93: {  	s26 =	spop (v2sf);
	[tilespmem:s25+$0x70] =	vst v1  }
0x94: {  	v1 =	vld [tilespmem:s26+$0x0];
	_ =	sdelay $0x4  }
0x95: {  	s4 =	spop (v2sf);
	[tilespmem:s25+$0x80] =	vst v1  }
0x96: {  	v1 =	vld [tilespmem:s4+$0x0];
	_ =	sdelay $0x4  }
0x97: {  	[tilespmem:s25+$0xC0] =	vst v1  }
0x98: {  	v1 =	vld [tilespmem:s26+$0x10];
	_ =	sdelay $0x4  }
0x99: {  	[tilespmem:s25+$0x90] =	vst v1  }
0x9a: {  	v1 =	vld [tilespmem:s4+$0x10];
	_ =	sdelay $0x4  }
0x9b: {  	[tilespmem:s25+$0xD0] =	vst v1  }
0x9c: {  	v1 =	vld [tilespmem:s26+$0x20];
	_ =	sdelay $0x4  }
0x9d: {  	[tilespmem:s25+$0xA0] =	vst v1  }
0x9e: {  	v1 =	vld [tilespmem:s4+$0x20];
	_ =	sdelay $0x1  }
0x9f: {  	(v2sf) =	vpush v0, $0xC;
	_ =	sdelay $0x2  }
0xa0: {  	[tilespmem:s25+$0xE0] =	vst v1  }
0xa1: {  	v1 =	vld [tilespmem:s26+$0x30];
	_ =	sdelay $0x1  }
0xa2: {  	(v2sf) =	vpush v0, $0xD;
	_ =	sdelay $0x2  }
0xa3: {  	[tilespmem:s25+$0xB0] =	vst v1  }
0xa4: {  	v1 =	vld [tilespmem:s4+$0x30];
	_ =	sdelay $0x4  }
0xa5: {  	s26 =	spop (v2sf);
	[tilespmem:s25+$0xF0] =	vst v1  }
0xa6: {  	v1 =	vld [tilespmem:s26+$0x0];
	_ =	sdelay $0x4  }
0xa7: {  	s4 =	spop (v2sf);
	[tilespmem:s25+$0x100] =	vst v1  }
0xa8: {  	v1 =	vld [tilespmem:s4+$0x0];
	_ =	sdelay $0x4  }
0xa9: {  	[tilespmem:s25+$0x140] =	vst v1  }
0xaa: {  	v1 =	vld [tilespmem:s26+$0x10];
	_ =	sdelay $0x4  }
0xab: {  	[tilespmem:s25+$0x110] =	vst v1  }
0xac: {  	v1 =	vld [tilespmem:s4+$0x10];
	_ =	sdelay $0x4  }
0xad: {  	[tilespmem:s25+$0x150] =	vst v1  }
0xae: {  	v1 =	vld [tilespmem:s26+$0x20];
	_ =	sdelay $0x4  }
0xaf: {  	[tilespmem:s25+$0x120] =	vst v1  }
0xb0: {  	v1 =	vld [tilespmem:s4+$0x20];
	_ =	sdelay $0x1  }
0xb1: {  	(v2sf) =	vpush v0, $0xE;
	_ =	sdelay $0x2  }
0xb2: {  	[tilespmem:s25+$0x160] =	vst v1  }
0xb3: {  	v1 =	vld [tilespmem:s26+$0x30];
	_ =	sdelay $0x1  }
0xb4: {  	(v2sf) =	vpush v0, $0xF;
	_ =	sdelay $0x2  }
0xb5: {  	[tilespmem:s25+$0x130] =	vst v1  }
0xb6: {  	v63 =	vld [tilespmem:s4+$0x30];
	_ =	sdelay $0x4  }
0xb7: {  	s26 =	spop (v2sf);
	[tilespmem:s25+$0x170] =	vst v63  }
0xb8: {  	v0 =	vld [tilespmem:s26+$0x0];
	_ =	sdelay $0x4  }
0xb9: {  	s4 =	spop (v2sf);
	[tilespmem:s25+$0x180] =	vst v0  }
0xba: {  	v0 =	vld [tilespmem:s4+$0x0];
	_ =	sdelay $0x4  }
0xbb: {  	[tilespmem:s25+$0x1C0] =	vst v0  }
0xbc: {  	v0 =	vld [tilespmem:s26+$0x10];
	_ =	sdelay $0x4  }
0xbd: {  	[tilespmem:s25+$0x190] =	vst v0  }
0xbe: {  	v0 =	vld [tilespmem:s4+$0x10];
	_ =	sdelay $0x4  }
0xbf: {  	[tilespmem:s25+$0x1D0] =	vst v0  }
0xc0: {  	v0 =	vld [tilespmem:s26+$0x20];
	_ =	sdelay $0x4  }
0xc1: {  	[tilespmem:s25+$0x1A0] =	vst v0  }
0xc2: {  	v0 =	vld [tilespmem:s4+$0x20];
	_ =	sdelay $0x4  }
0xc3: {  	[tilespmem:s25+$0x1E0] =	vst v0  }
0xc4: {  	v0 =	vld [tilespmem:s26+$0x30];
	_ =	sdelay $0x4  }
0xc5: {  	[tilespmem:s25+$0x1B0] =	vst v0  }
0xc6: {  	p0 =	sne.s32 s24, $0xC40;
	v0 =	vld [tilespmem:s4+$0x30]  }
.Ltmp0:
0xc7: {  	_ = 	snop;
	(pc) =	sbr.rel @p0 .LBB2_3-.Ltmp0, $2  }
0xc8: {  	_ =	sdelay $0x2  }
0xc9: {  	s24 =	sadd.s32 $0x40, s24;
	[tilespmem:s25+$0x1F0] =	vst v0;
	s25 =	sadd.s32 $0x400, s25  }
0xca: {  	p0 =	seq.s32 s22, $0xF  }
0xcb: {  	s24 =	sadd.s32 @!p0 s23, s15  }
0xcc: {  	s25 =	smul.u32 @!p0 $0x19, s24  }
0xcd: {  	s26 =	simm.s32 @!p0 $0x0  }
0xce: {  	s28 =	simm.s32 @!p0 $0x180;
	s24 =	smul.u32 @!p0 $0xC8, s24;
	s25 =	sadd.s32 @!p0 s5, s25  }
0xcf: {  	[tilespmem:s28], [sflag:$0x1] =	stream.linear.gather @!p0 [hbm4b:s25+s26], $0xC8, $0x38;
	[tilespmem:$0x197C0] =	vst v63  }
0xd0: {  	s25 =	sadd.s32 @!p0 $0xC8, s24  }
0xd1: {  	s25 =	sshrl.u32 @!p0 s25, $0x3  }
0xd2: {  	s28 =	simm.s32 @!p0 $0x248;
	s25 =	sadd.s32 @!p0 s5, s25  }
0xd3: {  	[tilespmem:s28], [sflag:$0x1] =	stream.linear.gather @!p0 [hbm4b:s25+s26], $0xC8, $0x38;
	[tilespmem:$0x197C0] =	vst v63  }
0xd4: {  	s25 =	sshrl.u32 @!p0 s24, $0x3  }
0xd5: {  	s24 =	sadd.s32 @!p0 $0x258, s24;
	s25 =	sadd.s32 @!p0 s5, s25  }
0xd6: {  	s28 =	simm.s32 @!p0 $0x310;
	s24 =	sshrl.u32 @!p0 s24, $0x3;
	s25 =	sadd.s32 @!p0 $0x32, s25  }
0xd7: {  	[tilespmem:s28], [sflag:$0x1] =	stream.linear.gather @!p0 [hbm4b:s25+s26], $0xC8, $0x38;
	[tilespmem:$0x197C0] =	vst v63  }
0xd8: {  	s25 =	sadd.s32 @!p0 s5, s24;
	s28 =	simm.s32 @!p0 $0x3D8;
	s24 =	smul.u32 $0x320, s22  }
0xd9: {  	[tilespmem:s28], [sflag:$0x1] =	stream.linear.gather @!p0 [hbm4b:s25+s26], $0xC8, $0x38;
	[tilespmem:$0x197C0] =	vst v63  }
0xda: {  	s28 =	sadd.s32 s7, s24  }
0xdb: {  	s25 =	sshll.u32 s28, $0x4  }
0xdc: {  	s25 =	sadd.s32 s2, s25  }
0xdd: {  	[hbm4b:s25+s3] =	stream.linear.scatter [tilespmem:s30], [sflag:$0x3], $0xC800, $0x38;
	[tilespmem:$0x197C0] =	vst v63  }
0xde: {  	_ =	swait.ge [sflag:s31], $0xC8  }
0xdf: {  	[sflag:s31] =	ssyncset.done $0x0  }
0xe0: {  	[sflag:s31] =	ssyncadd.s32 $0xFFFFFF38  }
0xe1: {  	_ =	swait.ge [sflag:s31], $0xC8  }
0xe2: {  	[sflag:s31] =	ssyncset.done $0x0  }
0xe3: {  	[sflag:s31] =	ssyncadd.s32 $0xFFFFFF38  }
0xe4: {  	_ =	swait.ge [sflag:s31], $0xC8  }
0xe5: {  	[sflag:s31] =	ssyncset.done $0x0  }
0xe6: {  	[sflag:s31] =	ssyncadd.s32 $0xFFFFFF38  }
0xe7: {  	_ =	swait.ge [sflag:s31], $0xC8  }
0xe8: {  	[sflag:s31] =	ssyncset.done $0x0  }
0xe9: {  	s25 =	simm.s32 @!p1 $0x4;
	[sflag:s31] =	ssyncadd.s32 $0xFFFFFF38  }
0xea: {  	_ =	swait.ge @!p1 [sflag:s25], $0xC800  }
0xeb: {  	[sflag:s25] =	ssyncset.done @!p1 $0x0  }
0xec: {  	s26 =	simm.s32 $0xD1C0;
	[sflag:s25] =	ssyncadd.s32 @!p1 $0xFFFF3800;
	s25 =	simm.s32 $0x0  }
.LBB2_5:
0xed: {  	s28 =	sshra.s32 s25, $0x2  }
0xee: {  	v0 =	vld [tilespmem:s28+$0x4A0];
	_ =	sdelay $0x4  }
0xef: {  	v0 =	vshll.u32 v0, $0x6  }
0xf0: {  	(v2sf) =	vpush v0, $0x0;
	_ =	sdelay $0x5  }
0xf1: {  	(v2sf) =	vpush v0, $0x1;
	_ =	sdelay $0x8  }
0xf2: {  	s28 =	spop (v2sf)  }
0xf3: {  	v1 =	vld [tilespmem:s28+$0x0];
	_ =	sdelay $0x4  }
0xf4: {  	s4 =	spop (v2sf);
	[tilespmem:s26+$0xFFFFFE00] =	vst v1  }
0xf5: {  	v1 =	vld [tilespmem:s4+$0x0];
	_ =	sdelay $0x4  }
0xf6: {  	[tilespmem:s26+$0xFFFFFE40] =	vst v1  }
0xf7: {  	v1 =	vld [tilespmem:s28+$0x10];
	_ =	sdelay $0x4  }
0xf8: {  	[tilespmem:s26+$0xFFFFFE10] =	vst v1  }
0xf9: {  	v1 =	vld [tilespmem:s4+$0x10];
	_ =	sdelay $0x4  }
0xfa: {  	[tilespmem:s26+$0xFFFFFE50] =	vst v1  }
0xfb: {  	v1 =	vld [tilespmem:s28+$0x20];
	_ =	sdelay $0x4  }
0xfc: {  	[tilespmem:s26+$0xFFFFFE20] =	vst v1  }
0xfd: {  	v1 =	vld [tilespmem:s4+$0x20];
	_ =	sdelay $0x1  }
0xfe: {  	(v2sf) =	vpush v0, $0x2;
	_ =	sdelay $0x2  }
0xff: {  	[tilespmem:s26+$0xFFFFFE60] =	vst v1  }
0x100: {  	v1 =	vld [tilespmem:s28+$0x30];
	_ =	sdelay $0x1  }
0x101: {  	(v2sf) =	vpush v0, $0x3;
	_ =	sdelay $0x2  }
0x102: {  	[tilespmem:s26+$0xFFFFFE30] =	vst v1  }
0x103: {  	v1 =	vld [tilespmem:s4+$0x30];
	_ =	sdelay $0x4  }
0x104: {  	s4 =	spop (v2sf);
	[tilespmem:s26+$0xFFFFFE70] =	vst v1  }
0x105: {  	v1 =	vld [tilespmem:s4+$0x0];
	_ =	sdelay $0x4  }
0x106: {  	s28 =	spop (v2sf);
	[tilespmem:s26+$0xFFFFFE80] =	vst v1  }
0x107: {  	v1 =	vld [tilespmem:s28+$0x0];
	_ =	sdelay $0x4  }
0x108: {  	[tilespmem:s26+$0xFFFFFEC0] =	vst v1  }
0x109: {  	v1 =	vld [tilespmem:s4+$0x10];
	_ =	sdelay $0x4  }
0x10a: {  	[tilespmem:s26+$0xFFFFFE90] =	vst v1  }
0x10b: {  	v1 =	vld [tilespmem:s28+$0x10];
	_ =	sdelay $0x4  }
0x10c: {  	[tilespmem:s26+$0xFFFFFED0] =	vst v1  }
0x10d: {  	v1 =	vld [tilespmem:s4+$0x20];
	_ =	sdelay $0x4  }
0x10e: {  	[tilespmem:s26+$0xFFFFFEA0] =	vst v1  }
0x10f: {  	v1 =	vld [tilespmem:s28+$0x20];
	_ =	sdelay $0x1  }
0x110: {  	(v2sf) =	vpush v0, $0x4;
	_ =	sdelay $0x2  }
0x111: {  	[tilespmem:s26+$0xFFFFFEE0] =	vst v1  }
0x112: {  	v1 =	vld [tilespmem:s4+$0x30];
	_ =	sdelay $0x1  }
0x113: {  	(v2sf) =	vpush v0, $0x5;
	_ =	sdelay $0x2  }
0x114: {  	[tilespmem:s26+$0xFFFFFEB0] =	vst v1  }
0x115: {  	v1 =	vld [tilespmem:s28+$0x30];
	_ =	sdelay $0x4  }
0x116: {  	s4 =	spop (v2sf);
	[tilespmem:s26+$0xFFFFFEF0] =	vst v1  }
0x117: {  	v1 =	vld [tilespmem:s4+$0x0];
	_ =	sdelay $0x4  }
0x118: {  	s28 =	spop (v2sf);
	[tilespmem:s26+$0xFFFFFF00] =	vst v1  }
0x119: {  	v1 =	vld [tilespmem:s28+$0x0];
	_ =	sdelay $0x4  }
0x11a: {  	[tilespmem:s26+$0xFFFFFF40] =	vst v1  }
0x11b: {  	v1 =	vld [tilespmem:s4+$0x10];
	_ =	sdelay $0x4  }
0x11c: {  	[tilespmem:s26+$0xFFFFFF10] =	vst v1  }
0x11d: {  	v1 =	vld [tilespmem:s28+$0x10];
	_ =	sdelay $0x4  }
0x11e: {  	[tilespmem:s26+$0xFFFFFF50] =	vst v1  }
0x11f: {  	v1 =	vld [tilespmem:s4+$0x20];
	_ =	sdelay $0x4  }
0x120: {  	[tilespmem:s26+$0xFFFFFF20] =	vst v1  }
0x121: {  	v1 =	vld [tilespmem:s28+$0x20];
	_ =	sdelay $0x1  }
0x122: {  	(v2sf) =	vpush v0, $0x6;
	_ =	sdelay $0x2  }
0x123: {  	[tilespmem:s26+$0xFFFFFF60] =	vst v1  }
0x124: {  	v1 =	vld [tilespmem:s4+$0x30];
	_ =	sdelay $0x1  }
0x125: {  	(v2sf) =	vpush v0, $0x7;
	_ =	sdelay $0x2  }
0x126: {  	[tilespmem:s26+$0xFFFFFF30] =	vst v1  }
0x127: {  	v1 =	vld [tilespmem:s28+$0x30];
	_ =	sdelay $0x4  }
0x128: {  	s4 =	spop (v2sf);
	[tilespmem:s26+$0xFFFFFF70] =	vst v1  }
0x129: {  	v1 =	vld [tilespmem:s4+$0x0];
	_ =	sdelay $0x4  }
0x12a: {  	s28 =	spop (v2sf);
	[tilespmem:s26+$0xFFFFFF80] =	vst v1  }
0x12b: {  	v1 =	vld [tilespmem:s28+$0x0];
	_ =	sdelay $0x4  }
0x12c: {  	[tilespmem:s26+$0xFFFFFFC0] =	vst v1  }
0x12d: {  	v1 =	vld [tilespmem:s4+$0x10];
	_ =	sdelay $0x4  }
0x12e: {  	[tilespmem:s26+$0xFFFFFF90] =	vst v1  }
0x12f: {  	v1 =	vld [tilespmem:s28+$0x10];
	_ =	sdelay $0x4  }
0x130: {  	[tilespmem:s26+$0xFFFFFFD0] =	vst v1  }
0x131: {  	v1 =	vld [tilespmem:s4+$0x20];
	_ =	sdelay $0x4  }
0x132: {  	[tilespmem:s26+$0xFFFFFFA0] =	vst v1  }
0x133: {  	v1 =	vld [tilespmem:s28+$0x20];
	_ =	sdelay $0x1  }
0x134: {  	(v2sf) =	vpush v0, $0x8;
	_ =	sdelay $0x2  }
0x135: {  	[tilespmem:s26+$0xFFFFFFE0] =	vst v1  }
0x136: {  	v1 =	vld [tilespmem:s4+$0x30];
	_ =	sdelay $0x1  }
0x137: {  	(v2sf) =	vpush v0, $0x9;
	_ =	sdelay $0x2  }
0x138: {  	[tilespmem:s26+$0xFFFFFFB0] =	vst v1  }
0x139: {  	v1 =	vld [tilespmem:s28+$0x30];
	_ =	sdelay $0x4  }
0x13a: {  	s4 =	spop (v2sf);
	[tilespmem:s26+$0xFFFFFFF0] =	vst v1  }
0x13b: {  	v1 =	vld [tilespmem:s4+$0x0];
	_ =	sdelay $0x4  }
0x13c: {  	s28 =	spop (v2sf);
	[tilespmem:s26+$0x0] =	vst v1  }
0x13d: {  	v1 =	vld [tilespmem:s28+$0x0];
	_ =	sdelay $0x4  }
0x13e: {  	[tilespmem:s26+$0x40] =	vst v1  }
0x13f: {  	v1 =	vld [tilespmem:s4+$0x10];
	_ =	sdelay $0x4  }
0x140: {  	[tilespmem:s26+$0x10] =	vst v1  }
0x141: {  	v1 =	vld [tilespmem:s28+$0x10];
	_ =	sdelay $0x4  }
0x142: {  	[tilespmem:s26+$0x50] =	vst v1  }
0x143: {  	v1 =	vld [tilespmem:s4+$0x20];
	_ =	sdelay $0x4  }
0x144: {  	[tilespmem:s26+$0x20] =	vst v1  }
0x145: {  	v1 =	vld [tilespmem:s28+$0x20];
	_ =	sdelay $0x1  }
0x146: {  	(v2sf) =	vpush v0, $0xA;
	_ =	sdelay $0x2  }
0x147: {  	[tilespmem:s26+$0x60] =	vst v1  }
0x148: {  	v1 =	vld [tilespmem:s4+$0x30];
	_ =	sdelay $0x1  }
0x149: {  	(v2sf) =	vpush v0, $0xB;
	_ =	sdelay $0x2  }
0x14a: {  	[tilespmem:s26+$0x30] =	vst v1  }
0x14b: {  	v1 =	vld [tilespmem:s28+$0x30];
	_ =	sdelay $0x4  }
0x14c: {  	s4 =	spop (v2sf);
	[tilespmem:s26+$0x70] =	vst v1  }
0x14d: {  	v1 =	vld [tilespmem:s4+$0x0];
	_ =	sdelay $0x4  }
0x14e: {  	s28 =	spop (v2sf);
	[tilespmem:s26+$0x80] =	vst v1  }
0x14f: {  	v1 =	vld [tilespmem:s28+$0x0];
	_ =	sdelay $0x4  }
0x150: {  	[tilespmem:s26+$0xC0] =	vst v1  }
0x151: {  	v1 =	vld [tilespmem:s4+$0x10];
	_ =	sdelay $0x4  }
0x152: {  	[tilespmem:s26+$0x90] =	vst v1  }
0x153: {  	v1 =	vld [tilespmem:s28+$0x10];
	_ =	sdelay $0x4  }
0x154: {  	[tilespmem:s26+$0xD0] =	vst v1  }
0x155: {  	v1 =	vld [tilespmem:s4+$0x20];
	_ =	sdelay $0x4  }
0x156: {  	[tilespmem:s26+$0xA0] =	vst v1  }
0x157: {  	v1 =	vld [tilespmem:s28+$0x20];
	_ =	sdelay $0x1  }
0x158: {  	(v2sf) =	vpush v0, $0xC;
	_ =	sdelay $0x2  }
0x159: {  	[tilespmem:s26+$0xE0] =	vst v1  }
0x15a: {  	v1 =	vld [tilespmem:s4+$0x30];
	_ =	sdelay $0x1  }
0x15b: {  	(v2sf) =	vpush v0, $0xD;
	_ =	sdelay $0x2  }
0x15c: {  	[tilespmem:s26+$0xB0] =	vst v1  }
0x15d: {  	v1 =	vld [tilespmem:s28+$0x30];
	_ =	sdelay $0x4  }
0x15e: {  	s4 =	spop (v2sf);
	[tilespmem:s26+$0xF0] =	vst v1  }
0x15f: {  	v1 =	vld [tilespmem:s4+$0x0];
	_ =	sdelay $0x4  }
0x160: {  	s28 =	spop (v2sf);
	[tilespmem:s26+$0x100] =	vst v1  }
0x161: {  	v1 =	vld [tilespmem:s28+$0x0];
	_ =	sdelay $0x4  }
0x162: {  	[tilespmem:s26+$0x140] =	vst v1  }
0x163: {  	v1 =	vld [tilespmem:s4+$0x10];
	_ =	sdelay $0x4  }
0x164: {  	[tilespmem:s26+$0x110] =	vst v1  }
0x165: {  	v1 =	vld [tilespmem:s28+$0x10];
	_ =	sdelay $0x4  }
0x166: {  	[tilespmem:s26+$0x150] =	vst v1  }
0x167: {  	v1 =	vld [tilespmem:s4+$0x20];
	_ =	sdelay $0x4  }
0x168: {  	[tilespmem:s26+$0x120] =	vst v1  }
0x169: {  	v1 =	vld [tilespmem:s28+$0x20];
	_ =	sdelay $0x1  }
0x16a: {  	(v2sf) =	vpush v0, $0xE;
	_ =	sdelay $0x2  }
0x16b: {  	[tilespmem:s26+$0x160] =	vst v1  }
0x16c: {  	v1 =	vld [tilespmem:s4+$0x30];
	_ =	sdelay $0x1  }
0x16d: {  	(v2sf) =	vpush v0, $0xF;
	_ =	sdelay $0x2  }
0x16e: {  	[tilespmem:s26+$0x130] =	vst v1  }
0x16f: {  	v63 =	vld [tilespmem:s28+$0x30];
	_ =	sdelay $0x4  }
0x170: {  	s4 =	spop (v2sf);
	[tilespmem:s26+$0x170] =	vst v63  }
0x171: {  	v0 =	vld [tilespmem:s4+$0x0];
	_ =	sdelay $0x4  }
0x172: {  	s28 =	spop (v2sf);
	[tilespmem:s26+$0x180] =	vst v0  }
0x173: {  	v0 =	vld [tilespmem:s28+$0x0];
	_ =	sdelay $0x4  }
0x174: {  	[tilespmem:s26+$0x1C0] =	vst v0  }
0x175: {  	v0 =	vld [tilespmem:s4+$0x10];
	_ =	sdelay $0x4  }
0x176: {  	[tilespmem:s26+$0x190] =	vst v0  }
0x177: {  	v0 =	vld [tilespmem:s28+$0x10];
	_ =	sdelay $0x4  }
0x178: {  	[tilespmem:s26+$0x1D0] =	vst v0  }
0x179: {  	v0 =	vld [tilespmem:s4+$0x20];
	_ =	sdelay $0x4  }
0x17a: {  	[tilespmem:s26+$0x1A0] =	vst v0  }
0x17b: {  	v0 =	vld [tilespmem:s28+$0x20];
	_ =	sdelay $0x4  }
0x17c: {  	[tilespmem:s26+$0x1E0] =	vst v0  }
0x17d: {  	v0 =	vld [tilespmem:s4+$0x30];
	_ =	sdelay $0x4  }
0x17e: {  	[tilespmem:s26+$0x1B0] =	vst v0  }
0x17f: {  	p1 =	sne.s32 s25, $0xC40;
	v0 =	vld [tilespmem:s28+$0x30]  }
.Ltmp1:
0x180: {  	_ = 	snop;
	(pc) =	sbr.rel @p1 .LBB2_5-.Ltmp1, $2  }
0x181: {  	_ =	sdelay $0x2  }
0x182: {  	s25 =	sadd.s32 $0x40, s25;
	[tilespmem:s26+$0x1F0] =	vst v0;
	s26 =	sadd.s32 $0x400, s26  }
0x183: {  	s4 =	sadd.s32 @!p0 s23, s16  }
0x184: {  	s23 =	smul.u32 @!p0 $0x19, s4  }
0x185: {  	s25 =	simm.s32 @!p0 $0x0  }
0x186: {  	s26 =	simm.s32 @!p0 $0x4A0;
	s4 =	smul.u32 @!p0 $0xC8, s4;
	s23 =	sadd.s32 @!p0 s5, s23  }
0x187: {  	[tilespmem:s26], [sflag:$0x2] =	stream.linear.gather @!p0 [hbm4b:s23+s25], $0xC8, $0x38;
	[tilespmem:$0x197C0] =	vst v63  }
0x188: {  	s23 =	sadd.s32 @!p0 $0xC8, s4  }
0x189: {  	s23 =	sshrl.u32 @!p0 s23, $0x3  }
0x18a: {  	s26 =	simm.s32 @!p0 $0x568;
	s23 =	sadd.s32 @!p0 s5, s23  }
0x18b: {  	[tilespmem:s26], [sflag:$0x2] =	stream.linear.gather @!p0 [hbm4b:s23+s25], $0xC8, $0x38;
	[tilespmem:$0x197C0] =	vst v63  }
0x18c: {  	s23 =	sshrl.u32 @!p0 s4, $0x3  }
0x18d: {  	s4 =	sadd.s32 @!p0 $0x258, s4;
	s23 =	sadd.s32 @!p0 s5, s23  }
0x18e: {  	s26 =	simm.s32 @!p0 $0x630;
	s4 =	sshrl.u32 @!p0 s4, $0x3;
	s23 =	sadd.s32 @!p0 $0x32, s23  }
0x18f: {  	[tilespmem:s26], [sflag:$0x2] =	stream.linear.gather @!p0 [hbm4b:s23+s25], $0xC8, $0x38;
	[tilespmem:$0x197C0] =	vst v63  }
0x190: {  	s22 =	sadd.s32 $0x1, s22;
	s4 =	sadd.s32 @!p0 s5, s4;
	s23 =	simm.s32 @!p0 $0x6F8  }
0x191: {  	[tilespmem:s23], [sflag:$0x2] =	stream.linear.gather @!p0 [hbm4b:s4+s25], $0xC8, $0x38;
	[tilespmem:$0x197C0] =	vst v63  }
0x192: {  	p0 =	sne.s32 s22, $0x10  }
.Ltmp2:
0x193: {  	s28 =	sadd.s32 s24, s17;
	(pc) =	sbr.rel @p0 .LBB2_2-.Ltmp2, $4  }
0x194: {  	s4 =	sshll.u32 s28, $0x4  }
0x195: {  	s4 =	sand.u32 $0x1FFFFF00, s4  }
0x196: {  	s4 =	sadd.s32 s2, s4  }
0x197: {  	[hbm4b:s4+s3] =	stream.linear.scatter [tilespmem:s0], [sflag:$0x4], $0xC800, $0x38;
	[tilespmem:$0x197C0] =	vst v63  }
0x198: {  	s21 =	sadd.s32 $0x1, s21  }
0x199: {  	_ =	swait.ge [sflag:s1], $0xC800;
	p0 =	sne.s32 s21, s18  }
.Ltmp3:
0x19a: {  	[sflag:s1] =	ssyncset.done $0x0;
	(pc) =	sbr.rel @p0 .LBB2_1-.Ltmp3, $4  }
0x19b: {  	[sflag:s1] =	ssyncadd.s32 $0xFFFF3800  }
0x19c: {  	_ =	swait.ge [sflag:s20], $0xC800  }
0x19d: {  	[sflag:s20] =	ssyncset.done $0x0  }
0x19e: {  	[sflag:s20] =	ssyncadd.s32 $0xFFFF3800  }
0x19f: {  	_ =	sfence.sel $0x180000  }
0x1a0: {  	[bflag:$0x0] =	sbarrier.arrive $0xFFFF  }
0x1a1: {  	_ =	strace $0x90000047  }
0x1a2: {  	s0 =	stileid.u32;
	[bflag:$0x2] =	sbarrier.arrive $0xFFFF  }
0x1a3: {  	p0 =	sne.s32 s0, $0x0;
	s0 =	rddreg [dreg:$0x2]  }
0x1a4: {  	s0 =	sadd.s32 @!p0 $0x100000, s0  }
0x1a5: {  	[sflag:s0] =	ssyncadd.tile.s32 @!p0 $0x1;
	_ =	shalt  }
.Lfunc_end2:
_tile_overlayer_lowered:
.L_overlay_start_2:
0x1a6: {  	(tag) =	ssettag $0x2  }
0x1a7: {  	s0 =	rddreg [dreg:$0x0];
	s2 =	stileid.u32  }
0x1a8: {  	s1 =	rddreg [dreg:$0x1];
	p0 =	sne.s32 s2, $0x0  }
0x1a9: {  	s3 =	rddreg [dreg:$0x2];
	[bflag:$0x3] =	sbarrier.arrive $0xFFFF;
	s2 =	simm.s32 @!p0 $0x1C05  }
0x1aa: {  	[timem:s3], [sflag:s2] =	dma.local @!p0 [hbm:s0], s1  }
0x1ab: {  	s0 =	simm.s32 @!p0 $0x5  }
0x1ac: {  	_ =	swait.ge @!p0 [sflag:s0], s1  }
0x1ad: {  	s1 =	ssub.s32 @!p0 $0x0, s1;
	[sflag:s0] =	ssyncset.done @!p0 $0x0  }
0x1ae: {  	[sflag:s0] =	ssyncadd.s32 @!p0 s1  }
0x1af: {  	[bflag:$0x3] =	sbarrier.arrive $0xFFFF  }
0x1b0: {  	_ =	shalt  }

// kernel: sparse-core-data-format-call.cloned.1.call-start
scs
called_computation_lowered:
.L_overlay_start_0:
0x0: {  	s2 =	sld [smem:$0x3FD9]  }
0x1: {  	s3 =	sld [smem:$0x3FFE];
	_ =	sdelay $0x1  }
0x2: {  	s1 =	srdreg.scid  }
0x3: {  	s0 =	sand.u32 $0x1, s1  }
0x4: {  	s18 =	sshll.u32 s0, $0xA;
	s2 =	sadd.s32 s3, s2  }
0x5: {  	s2 =	sadd.s32 s2, s18  }
0x6: {  	[smem:$0x3FC2] =	sst s2  }
0x7: {  	_ = 	snop  }
0x8: {  	s2 =	sld [smem:$0x3FD0];
	(tm) =	ssettm $0x1  }
0x9: {  	s19 =	sld [smem:$0x3FFB];
	_ =	sdelay $0x3  }
0xa: {  	_ =	strace s19  }
0xb: {  	s3 =	sld [smem:$0x3FFC];
	_ =	sdelay $0x3  }
0xc: {  	_ =	strace s3  }
0xd: {  	s3 =	sld [smem:$0x3FFD];
	_ =	sdelay $0x3  }
0xe: {  	_ =	strace s3  }
0xf: {  	_ =	strace $0x8FFFFFFF  }
0x10: {  	s20 =	sld [smem:$0x3FDB];
	_ =	sdelay $0x1  }
0x11: {  	s4 =	simm.s32 $_scs_section_size  }
0x12: {  	s5 =	simm.s32 $_size__tile_overlayer_lowered;
	s6 =	simm.s32 $_tile_overlayer_lowered  }
0x13: {  	s23 =	simm.s32 $0x1BFF;
	s22 =	sshll.u32 s6, $0x1;
	s3 =	sadd.s32 s4, s20  }
0x14: {  	s7 =	simm.s32 $0x0;
	s21 =	sshll.u32 s5, $0x1;
	s5 =	sadd.s32 s22, s3  }
0x15: {  	[timem:s7], [sflag:s23] =	dma.local [hbm:s5], s21  }
0x16: {  	_ =	swait.ge [sflag:s23], s21  }
0x17: {  	s4 =	ssub.s32 $0x0, s21;
	[sflag:s23] =	ssyncset.done $0x0  }
0x18: {  	[sflag:s23] =	ssyncadd.s32 s4;
	_ =	sdelay $0x1  }
0x19: {  	s24 =	simm.s32 $0x1B8B  }
0x1a: {  	_ =	swait.ge [sflag:s24], $0x1  }
0x1b: {  	[sflag:s24] =	ssyncset.done $0x0  }
0x1c: {  	s26 =	simm.s32 $0x1B8E;
	s25 =	sld [smem:$0x3FFE];
	[sflag:s24] =	ssyncadd.s32 $0xFFFFFFFF  }
0x1d: {  	s27 =	simm.s32 $execute0_lowered;
	[smem:$0x3FD2] =	sst s26  }
0x1e: {  	s5 =	sshll.u32 s27, $0x1;
	_ =	strace $0x80000049;
	[dreg:$0x1] =	wrdreg $0xFFFFFFFF  }
0x1f: {  	s28 =	simm.s32 $_size_execute0_lowered;
	s3 =	sadd.s32 s3, s5;
	[dreg:$0x0] =	wrdreg $0x0  }
0x20: {  	s5 =	sshll.u32 s28, $0x1;
	[dreg:$0x2] =	wrdreg s3  }
0x21: {  	[dreg:$0x3] =	wrdreg s5  }
0x22: {  	[dreg:$0x4] =	wrdreg $0xC0  }
0x23: {  	_ =	task [dreg:s7], $0x5FFFF  }
0x24: {  	[dreg:$0x1] =	wrdreg $0xFFFFFFFF  }
0x25: {  	[dreg:$0x0] =	wrdreg $0x60  }
0x26: {  	[dreg:$0x2] =	wrdreg s25  }
0x27: {  	[dreg:$0x3] =	wrdreg s2  }
0x28: {  	[dreg:$0x4] =	wrdreg $0x9  }
0x29: {  	_ =	task.clear_ibuf [dreg:s7], $0x5FFFF;
	_ =	strace $0x90000049  }
0x2a: {  	s29 =	simm.s32 $0x9;
	_ =	strace $0x8000004B  }
0x2b: {  	_ =	swait.ge [sflag:s29], $0x1  }
0x2c: {  	[sflag:s29] =	ssyncadd.s32 $0xFFFFFFFF  }
0x2d: {  	_ =	strace $0x9000004B  }
0x2e: {  	_ =	sfence  }
0x2f: {  	s30 =	sld [smem:$0x0];
	_ =	sdelay $0x2  }
0x30: {  	s31 =	sshll.u32 s1, $0xD;
	s1 =	sshrl.u32 s1, $0x2  }
0x31: {  	s3 =	sand.u32 $0x4000, s31;
	s1 =	sadd.s32 s1, s30  }
0x32: {  	s0 =	sor.u32 s3, s0;
	s1 =	sshll.u32 s1, $0x11  }
0x33: {  	s0 =	sor.u32 s1, s0  }
0x34: {  	s0 =	sadd.s32 $0x8F2B, s0  }
0x35: {  	[sflag:s0] =	ssyncadd.remote.s32 $0x1  }
0x36: {  	_ =	sfence.sel $0xFFFF  }
0x37: {  	[dreg:$0x0] =	wrdreg $0xFFFFFFFF;
	(pc) =	sbr.abs _section_cstart, $3  }
0x38: {  	[dreg:$0x1] =	wrdreg $0xFFFFFFFF  }
0x39: {  	_ =	task.clear_ibuf [dreg:s7], $0x2FFFF;
	_ =	strace $0x9FFFFFFF  }
0x3a: {  	(tm) =	ssettm $0x7FFFFFFF  }
0x3b: {  	_ =	shalt  }
tec
execute0_lowered:
.L_overlay_start_1:
0x0: {  	(tag) =	ssettag $0x1  }
0x1: {  	s0 =	srdreg.scid  }
0x2: {  	s1 =	sshll.u32 s0, $0x4  }
0x3: {  	s0 =	stileid.u32;
	s1 =	sand.u32 $0x10, s1  }
0x4: {  	s1 =	sor.u32 s0, s1  }
0x5: {  	s6 =	rddreg [dreg:$0x0];
	s4 =	simm.s32 $0x1;
	s2 =	sshll.u32 s1, $0x7  }
0x6: {  	s7 =	simm.s32 $0x2;
	s12 =	simm.s32 $0x0;
	s1 =	ssub.s32 $0x1000, s2  }
0x7: {  	s8 =	simm.s32 $0x8000;
	s13 =	simm.s32 $0x0;
	s3 =	sand.u32 $0xF80, s1  }
0x8: {  	s9 =	simm.s32 $0x0;
	s5 =	sshrl.u32 s1, $0xC;
	p0 =	sne.s32 s3, $0x0  }
.Ltmp0:
0x9: {  	s1 =	rddreg [dreg:$0x2];
	s4 =	simm.s32 @!p0 $0x0;
	(pc) =	sbr.rel .LBB1_1-.Ltmp0, $4  }
0xa: {  	s11 =	simm.s32 $0x0;
	s3 =	rddreg [dreg:$0x1];
	s5 =	sadd.s32 s4, s5  }
0xb: {  	_ =	strace $0x8000004A;
	s4 =	simm.s32 $0x1;
	s5 =	smul.u32 $0xC8, s5  }
0xc: {  	s6 =	sadd.s32 $0x1200, s6;
	s10 =	smov.u32 s2;
	[sflag:s4] =	ssyncpa.u1 $0x0  }
0xd: {  	p0 =	por $0x0, $0x0;
	[sflag:s7] =	ssyncpa.u1 $0x0;
	s7 =	sor.u32 $0x1, s5  }
.LBB1_4:
0xe: {  	s16 =	sshll.u32 s13, $0x3;
	s17 =	sand.u32 $0x78, s13  }
0xf: {  	s30 =	sand.u32 $0x7E00, s13;
	s12 =	sshll.u32 s12, $0xF;
	s16 =	sand.u32 $0xC00, s16  }
0x10: {  	[tilespmem:s15+$0x810 ss:$0x81] =	vst.msk $0xffff, v2;
	s31 =	sand.u32 $0x7, s13;
	s16 =	sor.u32 s17, s16;
	s17 =	sadd.s32 s3, s30  }
0x11: {  	[tilespmem:s15+$0x1020 ss:$0x81] =	vst.msk $0xffff, v0;
	s13 =	sshll.u32 s31, $0x12;
	s12 =	sadd.s32 s12, s17;
	s16 =	sshrl.u32 s16, $0x3  }
0x12: {  	[tilespmem:s15+$0x0 ss:$0x81] =	vst.msk $0xffff, v1;
	s13 =	sor.u32 $0x400, s13;
	s12 =	sadd.s32 s16, s12  }
0x13: {  	[hbm4b:s12+s13] =	stream.strided.scatter [tilespmem:s14], [sflag:$0x2], $0x2000, s8, s13, $0x20;
	[tilespmem:$0x8080] =	vst v63  }
.LBB1_5:
0x14: {  	s14 =	sadd.s32 $0x1, s9  }
0x15: {  	s12 =	sadd.s32 $0x1000, s10;
	s16 =	smov.u32 s10;
	p2 =	sgt.s32 s14, $0xC7  }
0x16: {  	s16 =	smov.u32 @p2 s12  }
0x17: {  	s14 =	simm.s32 @p2 $0x0;
	p2 =	sgt.s32 s16, $0xFFF  }
0x18: {  	s16 =	smov.u32 @p2 s2;
	p2 =	sne.s32 s11, s7  }
.Ltmp1:
0x19: {  	p1 =	slt.u32 s11, $0x2;
	(pc) =	sbr.rel @!p2 .LBB1_6-.Ltmp1, $4  }
0x1a: {  	s15 =	simm.s32 @!p1 $0x2  }
0x1b: {  	s13 =	smov.u32 s10;
	p0 =	por !p0, !p0;
	_ =	swait.ge @!p1 [sflag:s15], $0x2000  }
0x1c: {  	s12 =	smov.u32 s9;
	[sflag:s15] =	ssyncset.done @!p1 $0x0;
	s9 =	smov.u32 s14  }
0x1d: {  	s11 =	sadd.s32 $0x1, s11;
	[sflag:s15] =	ssyncadd.s32 @!p1 $0xFFFFE000;
	s10 =	smov.u32 s16  }
.LBB1_1:
0x1e: {  	p1 =	sge.u32 s11, s5  }
0x1f: {  	s14 =	sand.u32 @!p1 $0x1FFFFFF, s9  }
0x20: {  	s15 =	smulhi.u32 @!p1 $0x147AE15, s14;
	_ =	sdelay $0x1  }
0x21: {  	s15 =	smul.u32 @!p1 $0xC8, s15  }
0x22: {  	s16 =	sxor.u32 @!p1 $0xFFFFFFFF, s11;
	s17 =	smul.u32 @!p1 $0xC80, s10  }
0x23: {  	s31 =	sadd.s32 $0xFFFFFFFF, s11;
	s16 =	sshll.u32 @!p1 s16, $0xD;
	s14 =	ssub.s32 @!p1 s14, s15  }
0x24: {  	s15 =	sand.u32 @!p1 $0x2000, s16;
	s16 =	sadd.s32 @!p1 s6, s17;
	s14 =	sshll.u32 @!p1 s14, $0x4  }
0x25: {  	s17 =	simm.s32 @!p1 $0x6400;
	s14 =	sadd.s32 @!p1 s14, s16;
	s16 =	simm.s32 @!p1 $0x40  }
0x26: {  	[tilespmem:s15], [sflag:$0x1] =	stream.strided.gather @!p1 [hbm4b:s14+s16], $0x2000, s17, s16, $0x38;
	[tilespmem:$0x8080] =	vst v63  }
0x27: {  	p1 =	sge.u32 s31, s5  }
.Ltmp2:
0x28: {  	_ = 	snop;
	(pc) =	sbr.rel @p1 .LBB1_5-.Ltmp2, $1  }
0x29: {  	_ =	sdelay $0x3  }
0x2a: {  	s14 =	simm.s32 $0x1  }
0x2b: {  	_ =	swait.ge [sflag:s4], $0x2000;
	s14 =	simm.s32 @!p0 $0x0  }
0x2c: {  	[sflag:s4] =	ssyncset.done $0x0;
	s15 =	sshll.u32 s14, $0xD  }
0x2d: {  	[sflag:s4] =	ssyncadd.s32 $0xFFFFE000;
	s18 =	sor.u32 $0x20, s15  }
0x2e: {  	s14 =	smul.u32 $0x8100, s14;
	v3 =	vld [tilespmem:s18+$0x10]  }
0x2f: {  	s30 =	sand.u32 $0x1, s11;
	v2 =	vld [tilespmem:s18+$0xFFFFFFF0]  }
0x30: {  	s15 =	smul.u32 $0x8100, s30;
	s14 =	sshrl.u32 s14, $0x2;
	v0 =	vld [tilespmem:s18+$0x0]  }
0x31: {  	v1 =	vld [tilespmem:s18+$0xFFFFFFE0];
	s16 =	sor.u32 $0x4000, s14  }
0x32: {  	s31 =	sshrl.u32 s15, $0x2;
	s15 =	sadd.s32 $0x0, s16  }
0x33: {  	s17 =	simm.s32 $0x4;
	s18 =	sadd.s32 $0x40, s18;
	s14 =	sor.u32 $0x4000, s31;
	[tilespmem:s15+$0x1830 ss:$0x81] =	vst.msk $0xffff, v3  }
.LBB1_3:
0x34: {  	v3 =	vld [tilespmem:s18+$0x10];
	p1 =	sne.s32 s17, $0x1FC;
	[tilespmem:s15+$0x810 ss:$0x81] =	vst.msk $0xffff, v2;
	s19 =	smov.u32 s17;
	s17 =	sadd.s32 $0x4, s17  }
.Ltmp3:
0x35: {  	v2 =	vld [tilespmem:s18+$0xFFFFFFF0];
	[tilespmem:s15+$0x1020 ss:$0x81] =	vst.msk $0xffff, v0;
	(pc) =	sbr.rel @p1 .LBB1_3-.Ltmp3, $4  }
0x36: {  	v0 =	vld [tilespmem:s18+$0x0];
	[tilespmem:s15+$0x0 ss:$0x81] =	vst.msk $0xffff, v1  }
0x37: {  	s15 =	sshra.s32 s19, $0x2;
	v1 =	vld [tilespmem:s18+$0xFFFFFFE0]  }
0x38: {  	s15 =	sadd.s32 s15, s16  }
0x39: {  	s18 =	sadd.s32 $0x40, s18;
	[tilespmem:s15+$0x1830 ss:$0x81] =	vst.msk $0xffff, v3  }
.Ltmp4:
0x3a: {  	_ = 	snop;
	(pc) =	sbr.rel .LBB1_4-.Ltmp4, $1  }
0x3b: {  	_ =	sdelay $0x3  }
.LBB1_6:
0x3c: {  	_ =	sfence.sel $0x180000  }
0x3d: {  	s2 =	simm.s32 $0x1;
	[bflag:$0x0] =	sbarrier.arrive $0xFFFF  }
0x3e: {  	s31 =	simm.s32 $0x2;
	[sflag:s2] =	ssyncpa.u1 $0x1  }
0x3f: {  	[sflag:s31] =	ssyncpa.u1 $0x1  }
0x40: {  	p0 =	sne.s32 s0, $0x0;
	_ =	strace $0x9000004A  }
0x41: {  	s0 =	sadd.s32 @!p0 $0x100000, s1;
	[bflag:$0x2] =	sbarrier.arrive $0xFFFF  }
0x42: {  	[sflag:s0] =	ssyncadd.tile.s32 @!p0 $0x1;
	_ =	shalt  }
.Lfunc_end1:
_tile_overlayer_lowered:
.L_overlay_start_2:
0x43: {  	(tag) =	ssettag $0x2  }
0x44: {  	s0 =	rddreg [dreg:$0x0];
	s2 =	stileid.u32  }
0x45: {  	s1 =	rddreg [dreg:$0x1];
	p0 =	sne.s32 s2, $0x0  }
0x46: {  	s3 =	rddreg [dreg:$0x2];
	[bflag:$0x3] =	sbarrier.arrive $0xFFFF;
	s2 =	simm.s32 @!p0 $0x1C01  }
0x47: {  	[timem:s3], [sflag:s2] =	dma.local @!p0 [hbm:s0], s1  }
0x48: {  	s0 =	simm.s32 @!p0 $0x1  }
0x49: {  	_ =	swait.ge @!p0 [sflag:s0], s1  }
0x4a: {  	s1 =	ssub.s32 @!p0 $0x0, s1;
	[sflag:s0] =	ssyncset.done @!p0 $0x0  }
0x4b: {  	[sflag:s0] =	ssyncadd.s32 @!p0 s1  }
0x4c: {  	[bflag:$0x3] =	sbarrier.arrive $0xFFFF  }
0x4d: {  	_ =	shalt  }

</sc_bundles>
